<compile_context>
chip_gen: v7x
topology: tpu7x:2x2x1
jax: 0.10.2.dev20260603
libtpu: 0.0.44.dev20260713+nightly
codegen_flags: <defaults>
</compile_context>

<pallas_src>
import functools

import jax
import jax.numpy as jnp
from jax import lax
from jax.experimental import pallas as pl
from jax.experimental.pallas import tpu as pltpu
from jax.experimental.pallas import tpu_sc as plsc

_LANE = 128
_K = 2
_NB = 3


@functools.lru_cache(maxsize=None)
def _make_lookup(num_rows: int, depth: int, vocab: int):
    info = plsc.get_sparse_core_info()
    nc, ns = info.num_cores, info.num_subcores
    nw = nc * ns
    rows_per_w = num_rows // nw
    iters = rows_per_w // _K
    assert num_rows % (nw * _K) == 0
    assert (iters - 4) % _NB == 0
    body_reps = (iters - 4) // _NB

    mesh = plsc.VectorSubcoreMesh(core_axis_name="c", subcore_axis_name="s")

    @functools.partial(
        pl.kernel,
        mesh=mesh,
        out_type=jax.ShapeDtypeStruct((num_rows * _LANE, depth), jnp.float32),
        scratch_types=[
            pltpu.VMEM((_NB, _K, _LANE), jnp.int32),
            pltpu.VMEM((_NB, _K * _LANE, depth), jnp.float32),
            pltpu.VMEM_SHARED((vocab, depth), jnp.float32),
            pltpu.SemaphoreType.DMA,
            pltpu.SemaphoreType.DMA,
            pltpu.SemaphoreType.DMA,
            pltpu.SemaphoreType.DMA,
            pltpu.SemaphoreType.DMA,
            pltpu.SemaphoreType.DMA,
            pltpu.SemaphoreType.DMA,
            pltpu.SemaphoreType.DMA,
            pltpu.SemaphoreType.DMA,
        ],
    )
    def lookup(table_hbm, idx_hbm, out_hbm, idx_v, rows_v, table_sh,
               sem_g0, sem_g1, sem_g2, sem_o0, sem_o1, sem_o2,
               sem_i0, sem_i1, sem_i2):
        sem_g = (sem_g0, sem_g1, sem_g2)
        sem_o = (sem_o0, sem_o1, sem_o2)
        sem_i = (sem_i0, sem_i1, sem_i2)
        sid = lax.axis_index("s")
        wid = sid * nc + lax.axis_index("c")
        wbase = wid * rows_per_w

        @pl.when(sid == 0)
        def _():
            pltpu.sync_copy(table_hbm, table_sh)

        plsc.subcore_barrier()

        def idx_cp(r, t):
            return pltpu.make_async_copy(
                idx_hbm.at[pl.ds(wbase + t * _K, _K)],
                idx_v.at[r],
                sem_i[r],
            )

        def fire_gather(r, t):
            for j in range(_K):
                pltpu.async_copy(
                    table_sh.at[idx_v.at[r].at[j]],
                    rows_v.at[r].at[pl.ds(j * _LANE, _LANE)],
                    sem_g[r],
                )

        def drain_gather(r):
            for j in range(_K):
                pltpu.make_async_copy(
                    table_sh.at[idx_v.at[r].at[j]],
                    rows_v.at[r].at[pl.ds(j * _LANE, _LANE)],
                    sem_g[r],
                ).wait()

        def out_cp(r, t):
            g = wbase + t * _K
            return pltpu.make_async_copy(
                rows_v.at[r],
                out_hbm.at[pl.ds(g * _LANE, _K * _LANE)],
                sem_o[r],
            )

        def step(t_ref, t, last=False, prefetch=True):
            r = t % _NB
            if t >= 2:
                out_cp((t + 1) % _NB, t_ref - 2).wait()
            if not last:
                idx_cp((t + 1) % _NB, t_ref + 1).wait()
                fire_gather((t + 1) % _NB, t_ref + 1)
                if prefetch:
                    idx_cp((t + 2) % _NB, t_ref + 2).start()
            drain_gather(r)
            out_cp(r, t_ref).start()

        idx_cp(0, 0).start()
        idx_cp(0, 0).wait()
        fire_gather(0, 0)
        idx_cp(1, 1).start()
        step(0, 0)
        step(1, 1)

        def body(v, carry):
            t0 = 2 + v * _NB
            step(t0, 2)
            step(t0 + 1, 3)
            step(t0 + 2, 4)
            return carry

        lax.fori_loop(0, body_reps, body, 0)

        t = iters - 2
        step(t, t % _NB + _NB, prefetch=False)
        step(t + 1, (t + 1) % _NB + _NB, last=True)
        out_cp((iters - 2) % _NB, iters - 2).wait()
        out_cp((iters - 1) % _NB, iters - 1).wait()

    return lookup


def kernel(atomic_numbers, table):
    b, s = atomic_numbers.shape
    vocab, depth = table.shape
    idx = atomic_numbers.reshape(-1).astype(jnp.int32).reshape(-1, _LANE)
    out = _make_lookup(idx.shape[0], depth, vocab)(table, idx)
    return out.reshape(b, s, depth)

# --- scband reference (transcript-rebuilt; emitter-appended) ---
"""Pipeline reference for scband-atomic-embedding-66374424592450 (READ-ONLY COPY).

The authoritative reference and input builder live on the scoring server;
editing this copy changes nothing except your own understanding.
"""

import jax, jax.numpy as jnp
import numpy as np

def setup_inputs(seed: int = 0) -> dict:
    key = jax.random.key(seed)
    k1, k2 = jax.random.split(key)
    atomic_numbers = jax.random.randint(k1, (16384, 200), 0, 83, dtype=jnp.int64)
    # nn.Embedding weight initialized uniform(-0.1, 0.1)
    table = jax.random.uniform(k2, (83, 128), dtype=jnp.float32, minval=-0.1, maxval=0.1)
    return {"atomic_numbers": atomic_numbers, "table": table}

def reference(atomic_numbers, table):
    # Embedding lookup: gather rows of table by atomic number
    return jnp.take(table, atomic_numbers, axis=0)

if __name__ == "__main__":
    import jax
    _d = setup_inputs()
    print(jax.jit(kernel)(*tuple(_d.values())))

</pallas_src>

<mosaic_0001>
#map = affine_map<(d0, d1) -> (0, 0)>
module attributes {stable_mosaic.version = 14 : i64} {
  func.func @lookup(%arg0: i32, %arg1: i32, %arg2: memref<83x128xf32, #tpu.memory_space<hbm>>, %arg3: memref<25600x128xi32, #tpu.memory_space<hbm>>, %arg4: memref<3276800x128xf32, #tpu.memory_space<hbm>>, %arg5: memref<3x2x128xi32, #tpu.memory_space<vmem>>, %arg6: memref<3x256x128xf32, #tpu.memory_space<vmem>>, %arg7: memref<83x128xf32, #tpu.memory_space<vmem_shared>>, %arg8: memref<!tpu.dma_semaphore, #tpu.memory_space<semaphore_mem>>, %arg9: memref<!tpu.dma_semaphore, #tpu.memory_space<semaphore_mem>>, %arg10: memref<!tpu.dma_semaphore, #tpu.memory_space<semaphore_mem>>, %arg11: memref<!tpu.dma_semaphore, #tpu.memory_space<semaphore_mem>>, %arg12: memref<!tpu.dma_semaphore, #tpu.memory_space<semaphore_mem>>, %arg13: memref<!tpu.dma_semaphore, #tpu.memory_space<semaphore_mem>>, %arg14: memref<!tpu.dma_semaphore, #tpu.memory_space<semaphore_mem>>, %arg15: memref<!tpu.dma_semaphore, #tpu.memory_space<semaphore_mem>>, %arg16: memref<!tpu.dma_semaphore, #tpu.memory_space<semaphore_mem>>) attributes {dimension_semantics = [#tpu.dimension_semantics<core_parallel>, #tpu.dimension_semantics<subcore_parallel>], iteration_bounds = array<i64: 2, 16>, scalar_prefetch = 0 : i64, scratch_operands = 12 : i64, tpu.core_type = #tpu.core_type<sc_vector_subcore>, window_params = [{transform_indices = #map}, {transform_indices = #map}, {transform_indices = #map}]} {
    %mul3A = arith.constant 2 : i32
    %mul3A_0 = arith.muli %arg1, %mul3A : i32
    %add3A = arith.addi %mul3A_0, %arg0 : i32
    %mul3A_1 = arith.constant 800 : i32
    %mul3A_2 = arith.muli %add3A, %mul3A_1 : i32
    %eq3A = arith.constant 0 : i32
    %eq3A_3 = arith.cmpi eq, %arg1, %eq3A : i32
    %convert_element_type3A = arith.extui %eq3A_3 : i1 to i32
    %cond3A = arith.constant 0 : i32
    %cond3A_4 = arith.cmpi ne, %convert_element_type3A, %cond3A : i32
    scf.if %cond3A_4 {
      "tpu.region"() ({
        %run_scoped3A = tpu.sem_alloc : memref<!tpu.dma_semaphore, #tpu.memory_space<semaphore_mem>>
        tpu.enqueue_dma source(%arg2 : memref<83x128xf32, #tpu.memory_space<hbm>>) target(%arg7 : memref<83x128xf32, #tpu.memory_space<vmem_shared>>) target_semaphore(%run_scoped3A : memref<!tpu.dma_semaphore, #tpu.memory_space<semaphore_mem>>)
        tpu.wait_dma2 semaphore(%run_scoped3A : memref<!tpu.dma_semaphore, #tpu.memory_space<semaphore_mem>>) src(%arg2 : memref<83x128xf32, #tpu.memory_space<hbm>>) dst(%arg7 : memref<83x128xf32, #tpu.memory_space<vmem_shared>>)
        tpu.yield
      }) : () -> ()
    } else {
    }
    %barrier3A = arith.constant 0 : index
    tpu.barrier barrier_id(%barrier3A)
    %add3A_5 = arith.constant 0 : i32
    %add3A_6 = arith.addi %mul3A_2, %add3A_5 : i32
    %dma_start3A = arith.constant 0 : i32
    %dma_start3A_7 = arith.constant 0 : i32
    %dma_start3A_8 = arith.constant 0 : i32
    %dma_start3A_9 = tpu.memref_slice %arg5[%dma_start3A, %dma_start3A_7, %dma_start3A_8] : memref<3x2x128xi32, #tpu.memory_space<vmem>> -> memref<1x2x128xi32, #tpu.memory_space<vmem>>
    %dma_start3A_10 = tpu.memref_squeeze %dma_start3A_9 : memref<1x2x128xi32, #tpu.memory_space<vmem>> -> memref<2x128xi32, #tpu.memory_space<vmem>>
    %dma_start3A_11 = arith.constant 0 : i32
    %dma_start3A_12 = tpu.memref_slice %arg3[%add3A_6, %dma_start3A_11] : memref<25600x128xi32, #tpu.memory_space<hbm>> -> memref<2x128xi32, #tpu.memory_space<hbm>>
    %dma_start3A_13 = arith.constant 0 : i32
    %dma_start3A_14 = arith.constant 0 : i32
    %dma_start3A_15 = tpu.memref_slice %arg5[%dma_start3A, %dma_start3A_13, %dma_start3A_14] : memref<3x2x128xi32, #tpu.memory_space<vmem>> -> memref<1x2x128xi32, #tpu.memory_space<vmem>>
    %dma_start3A_16 = tpu.memref_squeeze %dma_start3A_15 : memref<1x2x128xi32, #tpu.memory_space<vmem>> -> memref<2x128xi32, #tpu.memory_space<vmem>>
    %dma_start3A_17 = arith.constant 0 : i32
    %dma_start3A_18 = tpu.memref_slice %arg3[%add3A_6, %dma_start3A_17] : memref<25600x128xi32, #tpu.memory_space<hbm>> -> memref<2x128xi32, #tpu.memory_space<hbm>>
    tpu.enqueue_dma source(%dma_start3A_18 : memref<2x128xi32, #tpu.memory_space<hbm>>) target(%dma_start3A_16 : memref<2x128xi32, #tpu.memory_space<vmem>>) target_semaphore(%arg14 : memref<!tpu.dma_semaphore, #tpu.memory_space<semaphore_mem>>)
    %add3A_19 = arith.constant 0 : i32
    %add3A_20 = arith.addi %mul3A_2, %add3A_19 : i32
    %dma_wait3A = arith.constant 0 : i32
    %dma_wait3A_21 = arith.constant 0 : i32
    %dma_wait3A_22 = arith.constant 0 : i32
    %dma_wait3A_23 = tpu.memref_slice %arg5[%dma_wait3A, %dma_wait3A_21, %dma_wait3A_22] : memref<3x2x128xi32, #tpu.memory_space<vmem>> -> memref<1x2x128xi32, #tpu.memory_space<vmem>>
    %dma_wait3A_24 = tpu.memref_squeeze %dma_wait3A_23 : memref<1x2x128xi32, #tpu.memory_space<vmem>> -> memref<2x128xi32, #tpu.memory_space<vmem>>
    %dma_wait3A_25 = arith.constant 0 : i32
    %dma_wait3A_26 = tpu.memref_slice %arg3[%add3A_20, %dma_wait3A_25] : memref<25600x128xi32, #tpu.memory_space<hbm>> -> memref<2x128xi32, #tpu.memory_space<hbm>>
    %dma_wait3A_27 = arith.constant 0 : i32
    %dma_wait3A_28 = arith.constant 0 : i32
    %dma_wait3A_29 = tpu.memref_slice %arg5[%dma_wait3A, %dma_wait3A_27, %dma_wait3A_28] : memref<3x2x128xi32, #tpu.memory_space<vmem>> -> memref<1x2x128xi32, #tpu.memory_space<vmem>>
    %dma_wait3A_30 = tpu.memref_squeeze %dma_wait3A_29 : memref<1x2x128xi32, #tpu.memory_space<vmem>> -> memref<2x128xi32, #tpu.memory_space<vmem>>
    %dma_wait3A_31 = arith.constant 0 : i32
    %dma_wait3A_32 = tpu.memref_slice %arg3[%add3A_20, %dma_wait3A_31] : memref<25600x128xi32, #tpu.memory_space<hbm>> -> memref<2x128xi32, #tpu.memory_space<hbm>>
    tpu.wait_dma2 semaphore(%arg14 : memref<!tpu.dma_semaphore, #tpu.memory_space<semaphore_mem>>) src(%dma_wait3A_32 : memref<2x128xi32, #tpu.memory_space<hbm>>) dst(%dma_wait3A_30 : memref<2x128xi32, #tpu.memory_space<vmem>>)
    %dma_start3A_33 = arith.constant 0 : i32
    %dma_start3A_34 = arith.constant 0 : i32
    %dma_start3A_35 = arith.constant 0 : i32
    %dma_start3A_36 = arith.constant 0 : i32
    %dma_start3A_37 = arith.constant 0 : i32
    %dma_start3A_38 = tpu.memref_slice %arg6[%dma_start3A_35, %dma_start3A_36, %dma_start3A_37] : memref<3x256x128xf32, #tpu.memory_space<vmem>> -> memref<1x256x128xf32, #tpu.memory_space<vmem>>
    %dma_start3A_39 = tpu.memref_squeeze %dma_start3A_38 : memref<1x256x128xf32, #tpu.memory_space<vmem>> -> memref<256x128xf32, #tpu.memory_space<vmem>>
    %dma_start3A_40 = arith.constant 0 : i32
    %dma_start3A_41 = arith.constant 0 : i32
    %dma_start3A_42 = tpu.memref_slice %dma_start3A_39[%dma_start3A_40, %dma_start3A_41] : memref<256x128xf32, #tpu.memory_space<vmem>> -> memref<128x128xf32, #tpu.memory_space<vmem>>
    %dma_start3A_43 = arith.constant 0 : i32
    %dma_start3A_44 = arith.constant 0 : i32
    %dma_start3A_45 = tpu.memref_slice %arg5[%dma_start3A_33, %dma_start3A_43, %dma_start3A_44] : memref<3x2x128xi32, #tpu.memory_space<vmem>> -> memref<1x2x128xi32, #tpu.memory_space<vmem>>
    %dma_start3A_46 = tpu.memref_squeeze %dma_start3A_45 : memref<1x2x128xi32, #tpu.memory_space<vmem>> -> memref<2x128xi32, #tpu.memory_space<vmem>>
    %dma_start3A_47 = arith.constant 0 : i32
    %dma_start3A_48 = tpu.memref_slice %dma_start3A_46[%dma_start3A_34, %dma_start3A_47] : memref<2x128xi32, #tpu.memory_space<vmem>> -> memref<1x128xi32, #tpu.memory_space<vmem>>
    %dma_start3A_49 = tpu.memref_squeeze %dma_start3A_48 : memref<1x128xi32, #tpu.memory_space<vmem>> -> memref<128xi32, #tpu.memory_space<vmem>>
    %dma_start3A_50 = arith.constant 0 : i32
    %dma_start3A_51 = arith.constant 0 : i32
    %dma_start3A_52 = tpu.memref_slice %arg7[%dma_start3A_50, %dma_start3A_51] : memref<83x128xf32, #tpu.memory_space<vmem_shared>> -> memref<83x128xf32, #tpu.memory_space<vmem_shared>>
    tpu.enqueue_indirect_dma source(%dma_start3A_52 : memref<83x128xf32, #tpu.memory_space<vmem_shared>>) target(%dma_start3A_42 : memref<128x128xf32, #tpu.memory_space<vmem>>) offsets(%dma_start3A_49 : memref<128xi32, #tpu.memory_space<vmem>>) semaphore(%arg8 : memref<!tpu.dma_semaphore, #tpu.memory_space<semaphore_mem>>)
    %dma_start3A_53 = arith.constant 0 : i32
    %dma_start3A_54 = arith.constant 1 : i32
    %dma_start3A_55 = arith.constant 0 : i32
    %dma_start3A_56 = arith.constant 0 : i32
    %dma_start3A_57 = arith.constant 0 : i32
    %dma_start3A_58 = tpu.memref_slice %arg6[%dma_start3A_55, %dma_start3A_56, %dma_start3A_57] : memref<3x256x128xf32, #tpu.memory_space<vmem>> -> memref<1x256x128xf32, #tpu.memory_space<vmem>>
    %dma_start3A_59 = tpu.memref_squeeze %dma_start3A_58 : memref<1x256x128xf32, #tpu.memory_space<vmem>> -> memref<256x128xf32, #tpu.memory_space<vmem>>
    %dma_start3A_60 = arith.constant 128 : i32
    %dma_start3A_61 = arith.constant 0 : i32
    %dma_start3A_62 = tpu.memref_slice %dma_start3A_59[%dma_start3A_60, %dma_start3A_61] : memref<256x128xf32, #tpu.memory_space<vmem>> -> memref<128x128xf32, #tpu.memory_space<vmem>>
    %dma_start3A_63 = arith.constant 0 : i32
    %dma_start3A_64 = arith.constant 0 : i32
    %dma_start3A_65 = tpu.memref_slice %arg5[%dma_start3A_53, %dma_start3A_63, %dma_start3A_64] : memref<3x2x128xi32, #tpu.memory_space<vmem>> -> memref<1x2x128xi32, #tpu.memory_space<vmem>>
    %dma_start3A_66 = tpu.memref_squeeze %dma_start3A_65 : memref<1x2x128xi32, #tpu.memory_space<vmem>> -> memref<2x128xi32, #tpu.memory_space<vmem>>
    %dma_start3A_67 = arith.constant 0 : i32
    %dma_start3A_68 = tpu.memref_slice %dma_start3A_66[%dma_start3A_54, %dma_start3A_67] : memref<2x128xi32, #tpu.memory_space<vmem>> -> memref<1x128xi32, #tpu.memory_space<vmem>>
    %dma_start3A_69 = tpu.memref_squeeze %dma_start3A_68 : memref<1x128xi32, #tpu.memory_space<vmem>> -> memref<128xi32, #tpu.memory_space<vmem>>
    %dma_start3A_70 = arith.constant 0 : i32
    %dma_start3A_71 = arith.constant 0 : i32
    %dma_start3A_72 = tpu.memref_slice %arg7[%dma_start3A_70, %dma_start3A_71] : memref<83x128xf32, #tpu.memory_space<vmem_shared>> -> memref<83x128xf32, #tpu.memory_space<vmem_shared>>
    tpu.enqueue_indirect_dma source(%dma_start3A_72 : memref<83x128xf32, #tpu.memory_space<vmem_shared>>) target(%dma_start3A_62 : memref<128x128xf32, #tpu.memory_space<vmem>>) offsets(%dma_start3A_69 : memref<128xi32, #tpu.memory_space<vmem>>) semaphore(%arg8 : memref<!tpu.dma_semaphore, #tpu.memory_space<semaphore_mem>>)
    %add3A_73 = arith.constant 2 : i32
    %add3A_74 = arith.addi %mul3A_2, %add3A_73 : i32
    %dma_start3A_75 = arith.constant 1 : i32
    %dma_start3A_76 = arith.constant 0 : i32
    %dma_start3A_77 = arith.constant 0 : i32
    %dma_start3A_78 = tpu.memref_slice %arg5[%dma_start3A_75, %dma_start3A_76, %dma_start3A_77] : memref<3x2x128xi32, #tpu.memory_space<vmem>> -> memref<1x2x128xi32, #tpu.memory_space<vmem>>
    %dma_start3A_79 = tpu.memref_squeeze %dma_start3A_78 : memref<1x2x128xi32, #tpu.memory_space<vmem>> -> memref<2x128xi32, #tpu.memory_space<vmem>>
    %dma_start3A_80 = arith.constant 0 : i32
    %dma_start3A_81 = tpu.memref_slice %arg3[%add3A_74, %dma_start3A_80] : memref<25600x128xi32, #tpu.memory_space<hbm>> -> memref<2x128xi32, #tpu.memory_space<hbm>>
    %dma_start3A_82 = arith.constant 0 : i32
    %dma_start3A_83 = arith.constant 0 : i32
    %dma_start3A_84 = tpu.memref_slice %arg5[%dma_start3A_75, %dma_start3A_82, %dma_start3A_83] : memref<3x2x128xi32, #tpu.memory_space<vmem>> -> memref<1x2x128xi32, #tpu.memory_space<vmem>>
    %dma_start3A_85 = tpu.memref_squeeze %dma_start3A_84 : memref<1x2x128xi32, #tpu.memory_space<vmem>> -> memref<2x128xi32, #tpu.memory_space<vmem>>
    %dma_start3A_86 = arith.constant 0 : i32
    %dma_start3A_87 = tpu.memref_slice %arg3[%add3A_74, %dma_start3A_86] : memref<25600x128xi32, #tpu.memory_space<hbm>> -> memref<2x128xi32, #tpu.memory_space<hbm>>
    tpu.enqueue_dma source(%dma_start3A_87 : memref<2x128xi32, #tpu.memory_space<hbm>>) target(%dma_start3A_85 : memref<2x128xi32, #tpu.memory_space<vmem>>) target_semaphore(%arg15 : memref<!tpu.dma_semaphore, #tpu.memory_space<semaphore_mem>>)
    %add3A_88 = arith.constant 2 : i32
    %add3A_89 = arith.addi %mul3A_2, %add3A_88 : i32
    %dma_wait3A_90 = arith.constant 1 : i32
    %dma_wait3A_91 = arith.constant 0 : i32
    %dma_wait3A_92 = arith.constant 0 : i32
    %dma_wait3A_93 = tpu.memref_slice %arg5[%dma_wait3A_90, %dma_wait3A_91, %dma_wait3A_92] : memref<3x2x128xi32, #tpu.memory_space<vmem>> -> memref<1x2x128xi32, #tpu.memory_space<vmem>>
    %dma_wait3A_94 = tpu.memref_squeeze %dma_wait3A_93 : memref<1x2x128xi32, #tpu.memory_space<vmem>> -> memref<2x128xi32, #tpu.memory_space<vmem>>
    %dma_wait3A_95 = arith.constant 0 : i32
    %dma_wait3A_96 = tpu.memref_slice %arg3[%add3A_89, %dma_wait3A_95] : memref<25600x128xi32, #tpu.memory_space<hbm>> -> memref<2x128xi32, #tpu.memory_space<hbm>>
    %dma_wait3A_97 = arith.constant 0 : i32
    %dma_wait3A_98 = arith.constant 0 : i32
    %dma_wait3A_99 = tpu.memref_slice %arg5[%dma_wait3A_90, %dma_wait3A_97, %dma_wait3A_98] : memref<3x2x128xi32, #tpu.memory_space<vmem>> -> memref<1x2x128xi32, #tpu.memory_space<vmem>>
    %dma_wait3A_100 = tpu.memref_squeeze %dma_wait3A_99 : memref<1x2x128xi32, #tpu.memory_space<vmem>> -> memref<2x128xi32, #tpu.memory_space<vmem>>
    %dma_wait3A_101 = arith.constant 0 : i32
    %dma_wait3A_102 = tpu.memref_slice %arg3[%add3A_89, %dma_wait3A_101] : memref<25600x128xi32, #tpu.memory_space<hbm>> -> memref<2x128xi32, #tpu.memory_space<hbm>>
    tpu.wait_dma2 semaphore(%arg15 : memref<!tpu.dma_semaphore, #tpu.memory_space<semaphore_mem>>) src(%dma_wait3A_102 : memref<2x128xi32, #tpu.memory_space<hbm>>) dst(%dma_wait3A_100 : memref<2x128xi32, #tpu.memory_space<vmem>>)
    %dma_start3A_103 = arith.constant 1 : i32
    %dma_start3A_104 = arith.constant 0 : i32
    %dma_start3A_105 = arith.constant 1 : i32
    %dma_start3A_106 = arith.constant 0 : i32
    %dma_start3A_107 = arith.constant 0 : i32
    %dma_start3A_108 = tpu.memref_slice %arg6[%dma_start3A_105, %dma_start3A_106, %dma_start3A_107] : memref<3x256x128xf32, #tpu.memory_space<vmem>> -> memref<1x256x128xf32, #tpu.memory_space<vmem>>
    %dma_start3A_109 = tpu.memref_squeeze %dma_start3A_108 : memref<1x256x128xf32, #tpu.memory_space<vmem>> -> memref<256x128xf32, #tpu.memory_space<vmem>>
    %dma_start3A_110 = arith.constant 0 : i32
    %dma_start3A_111 = arith.constant 0 : i32
    %dma_start3A_112 = tpu.memref_slice %dma_start3A_109[%dma_start3A_110, %dma_start3A_111] : memref<256x128xf32, #tpu.memory_space<vmem>> -> memref<128x128xf32, #tpu.memory_space<vmem>>
    %dma_start3A_113 = arith.constant 0 : i32
    %dma_start3A_114 = arith.constant 0 : i32
    %dma_start3A_115 = tpu.memref_slice %arg5[%dma_start3A_103, %dma_start3A_113, %dma_start3A_114] : memref<3x2x128xi32, #tpu.memory_space<vmem>> -> memref<1x2x128xi32, #tpu.memory_space<vmem>>
    %dma_start3A_116 = tpu.memref_squeeze %dma_start3A_115 : memref<1x2x128xi32, #tpu.memory_space<vmem>> -> memref<2x128xi32, #tpu.memory_space<vmem>>
    %dma_start3A_117 = arith.constant 0 : i32
    %dma_start3A_118 = tpu.memref_slice %dma_start3A_116[%dma_start3A_104, %dma_start3A_117] : memref<2x128xi32, #tpu.memory_space<vmem>> -> memref<1x128xi32, #tpu.memory_space<vmem>>
    %dma_start3A_119 = tpu.memref_squeeze %dma_start3A_118 : memref<1x128xi32, #tpu.memory_space<vmem>> -> memref<128xi32, #tpu.memory_space<vmem>>
    %dma_start3A_120 = arith.constant 0 : i32
    %dma_start3A_121 = arith.constant 0 : i32
    %dma_start3A_122 = tpu.memref_slice %arg7[%dma_start3A_120, %dma_start3A_121] : memref<83x128xf32, #tpu.memory_space<vmem_shared>> -> memref<83x128xf32, #tpu.memory_space<vmem_shared>>
    tpu.enqueue_indirect_dma source(%dma_start3A_122 : memref<83x128xf32, #tpu.memory_space<vmem_shared>>) target(%dma_start3A_112 : memref<128x128xf32, #tpu.memory_space<vmem>>) offsets(%dma_start3A_119 : memref<128xi32, #tpu.memory_space<vmem>>) semaphore(%arg9 : memref<!tpu.dma_semaphore, #tpu.memory_space<semaphore_mem>>)
    %dma_start3A_123 = arith.constant 1 : i32
    %dma_start3A_124 = arith.constant 1 : i32
    %dma_start3A_125 = arith.constant 1 : i32
    %dma_start3A_126 = arith.constant 0 : i32
    %dma_start3A_127 = arith.constant 0 : i32
    %dma_start3A_128 = tpu.memref_slice %arg6[%dma_start3A_125, %dma_start3A_126, %dma_start3A_127] : memref<3x256x128xf32, #tpu.memory_space<vmem>> -> memref<1x256x128xf32, #tpu.memory_space<vmem>>
    %dma_start3A_129 = tpu.memref_squeeze %dma_start3A_128 : memref<1x256x128xf32, #tpu.memory_space<vmem>> -> memref<256x128xf32, #tpu.memory_space<vmem>>
    %dma_start3A_130 = arith.constant 128 : i32
    %dma_start3A_131 = arith.constant 0 : i32
    %dma_start3A_132 = tpu.memref_slice %dma_start3A_129[%dma_start3A_130, %dma_start3A_131] : memref<256x128xf32, #tpu.memory_space<vmem>> -> memref<128x128xf32, #tpu.memory_space<vmem>>
    %dma_start3A_133 = arith.constant 0 : i32
    %dma_start3A_134 = arith.constant 0 : i32
    %dma_start3A_135 = tpu.memref_slice %arg5[%dma_start3A_123, %dma_start3A_133, %dma_start3A_134] : memref<3x2x128xi32, #tpu.memory_space<vmem>> -> memref<1x2x128xi32, #tpu.memory_space<vmem>>
    %dma_start3A_136 = tpu.memref_squeeze %dma_start3A_135 : memref<1x2x128xi32, #tpu.memory_space<vmem>> -> memref<2x128xi32, #tpu.memory_space<vmem>>
    %dma_start3A_137 = arith.constant 0 : i32
    %dma_start3A_138 = tpu.memref_slice %dma_start3A_136[%dma_start3A_124, %dma_start3A_137] : memref<2x128xi32, #tpu.memory_space<vmem>> -> memref<1x128xi32, #tpu.memory_space<vmem>>
    %dma_start3A_139 = tpu.memref_squeeze %dma_start3A_138 : memref<1x128xi32, #tpu.memory_space<vmem>> -> memref<128xi32, #tpu.memory_space<vmem>>
    %dma_start3A_140 = arith.constant 0 : i32
    %dma_start3A_141 = arith.constant 0 : i32
    %dma_start3A_142 = tpu.memref_slice %arg7[%dma_start3A_140, %dma_start3A_141] : memref<83x128xf32, #tpu.memory_space<vmem_shared>> -> memref<83x128xf32, #tpu.memory_space<vmem_shared>>
    tpu.enqueue_indirect_dma source(%dma_start3A_142 : memref<83x128xf32, #tpu.memory_space<vmem_shared>>) target(%dma_start3A_132 : memref<128x128xf32, #tpu.memory_space<vmem>>) offsets(%dma_start3A_139 : memref<128xi32, #tpu.memory_space<vmem>>) semaphore(%arg9 : memref<!tpu.dma_semaphore, #tpu.memory_space<semaphore_mem>>)
    %add3A_143 = arith.constant 4 : i32
    %add3A_144 = arith.addi %mul3A_2, %add3A_143 : i32
    %dma_start3A_145 = arith.constant 2 : i32
    %dma_start3A_146 = arith.constant 0 : i32
    %dma_start3A_147 = arith.constant 0 : i32
    %dma_start3A_148 = tpu.memref_slice %arg5[%dma_start3A_145, %dma_start3A_146, %dma_start3A_147] : memref<3x2x128xi32, #tpu.memory_space<vmem>> -> memref<1x2x128xi32, #tpu.memory_space<vmem>>
    %dma_start3A_149 = tpu.memref_squeeze %dma_start3A_148 : memref<1x2x128xi32, #tpu.memory_space<vmem>> -> memref<2x128xi32, #tpu.memory_space<vmem>>
    %dma_start3A_150 = arith.constant 0 : i32
    %dma_start3A_151 = tpu.memref_slice %arg3[%add3A_144, %dma_start3A_150] : memref<25600x128xi32, #tpu.memory_space<hbm>> -> memref<2x128xi32, #tpu.memory_space<hbm>>
    %dma_start3A_152 = arith.constant 0 : i32
    %dma_start3A_153 = arith.constant 0 : i32
    %dma_start3A_154 = tpu.memref_slice %arg5[%dma_start3A_145, %dma_start3A_152, %dma_start3A_153] : memref<3x2x128xi32, #tpu.memory_space<vmem>> -> memref<1x2x128xi32, #tpu.memory_space<vmem>>
    %dma_start3A_155 = tpu.memref_squeeze %dma_start3A_154 : memref<1x2x128xi32, #tpu.memory_space<vmem>> -> memref<2x128xi32, #tpu.memory_space<vmem>>
    %dma_start3A_156 = arith.constant 0 : i32
    %dma_start3A_157 = tpu.memref_slice %arg3[%add3A_144, %dma_start3A_156] : memref<25600x128xi32, #tpu.memory_space<hbm>> -> memref<2x128xi32, #tpu.memory_space<hbm>>
    tpu.enqueue_dma source(%dma_start3A_157 : memref<2x128xi32, #tpu.memory_space<hbm>>) target(%dma_start3A_155 : memref<2x128xi32, #tpu.memory_space<vmem>>) target_semaphore(%arg16 : memref<!tpu.dma_semaphore, #tpu.memory_space<semaphore_mem>>)
    %dma_wait3A_158 = arith.constant 0 : i32
    %dma_wait3A_159 = arith.constant 0 : i32
    %dma_wait3A_160 = arith.constant 0 : i32
    %dma_wait3A_161 = arith.constant 0 : i32
    %dma_wait3A_162 = arith.constant 0 : i32
    %dma_wait3A_163 = tpu.memref_slice %arg6[%dma_wait3A_160, %dma_wait3A_161, %dma_wait3A_162] : memref<3x256x128xf32, #tpu.memory_space<vmem>> -> memref<1x256x128xf32, #tpu.memory_space<vmem>>
    %dma_wait3A_164 = tpu.memref_squeeze %dma_wait3A_163 : memref<1x256x128xf32, #tpu.memory_space<vmem>> -> memref<256x128xf32, #tpu.memory_space<vmem>>
    %dma_wait3A_165 = arith.constant 0 : i32
    %dma_wait3A_166 = arith.constant 0 : i32
    %dma_wait3A_167 = tpu.memref_slice %dma_wait3A_164[%dma_wait3A_165, %dma_wait3A_166] : memref<256x128xf32, #tpu.memory_space<vmem>> -> memref<128x128xf32, #tpu.memory_space<vmem>>
    %dma_wait3A_168 = arith.constant 0 : i32
    %dma_wait3A_169 = arith.constant 0 : i32
    %dma_wait3A_170 = tpu.memref_slice %arg5[%dma_wait3A_158, %dma_wait3A_168, %dma_wait3A_169] : memref<3x2x128xi32, #tpu.memory_space<vmem>> -> memref<1x2x128xi32, #tpu.memory_space<vmem>>
    %dma_wait3A_171 = tpu.memref_squeeze %dma_wait3A_170 : memref<1x2x128xi32, #tpu.memory_space<vmem>> -> memref<2x128xi32, #tpu.memory_space<vmem>>
    %dma_wait3A_172 = arith.constant 0 : i32
    %dma_wait3A_173 = tpu.memref_slice %dma_wait3A_171[%dma_wait3A_159, %dma_wait3A_172] : memref<2x128xi32, #tpu.memory_space<vmem>> -> memref<1x128xi32, #tpu.memory_space<vmem>>
    %dma_wait3A_174 = tpu.memref_squeeze %dma_wait3A_173 : memref<1x128xi32, #tpu.memory_space<vmem>> -> memref<128xi32, #tpu.memory_space<vmem>>
    %dma_wait3A_175 = arith.constant 0 : i32
    %dma_wait3A_176 = arith.constant 0 : i32
    %dma_wait3A_177 = tpu.memref_slice %arg7[%dma_wait3A_175, %dma_wait3A_176] : memref<83x128xf32, #tpu.memory_space<vmem_shared>> -> memref<83x128xf32, #tpu.memory_space<vmem_shared>>
    tpu.wait_indirect_dma semaphore(%arg8 : memref<!tpu.dma_semaphore, #tpu.memory_space<semaphore_mem>>) src(%dma_wait3A_177 : memref<83x128xf32, #tpu.memory_space<vmem_shared>>) dst(%dma_wait3A_167 : memref<128x128xf32, #tpu.memory_space<vmem>>)
    %dma_wait3A_178 = arith.constant 0 : i32
    %dma_wait3A_179 = arith.constant 1 : i32
    %dma_wait3A_180 = arith.constant 0 : i32
    %dma_wait3A_181 = arith.constant 0 : i32
    %dma_wait3A_182 = arith.constant 0 : i32
    %dma_wait3A_183 = tpu.memref_slice %arg6[%dma_wait3A_180, %dma_wait3A_181, %dma_wait3A_182] : memref<3x256x128xf32, #tpu.memory_space<vmem>> -> memref<1x256x128xf32, #tpu.memory_space<vmem>>
    %dma_wait3A_184 = tpu.memref_squeeze %dma_wait3A_183 : memref<1x256x128xf32, #tpu.memory_space<vmem>> -> memref<256x128xf32, #tpu.memory_space<vmem>>
    %dma_wait3A_185 = arith.constant 128 : i32
    %dma_wait3A_186 = arith.constant 0 : i32
    %dma_wait3A_187 = tpu.memref_slice %dma_wait3A_184[%dma_wait3A_185, %dma_wait3A_186] : memref<256x128xf32, #tpu.memory_space<vmem>> -> memref<128x128xf32, #tpu.memory_space<vmem>>
    %dma_wait3A_188 = arith.constant 0 : i32
    %dma_wait3A_189 = arith.constant 0 : i32
    %dma_wait3A_190 = tpu.memref_slice %arg5[%dma_wait3A_178, %dma_wait3A_188, %dma_wait3A_189] : memref<3x2x128xi32, #tpu.memory_space<vmem>> -> memref<1x2x128xi32, #tpu.memory_space<vmem>>
    %dma_wait3A_191 = tpu.memref_squeeze %dma_wait3A_190 : memref<1x2x128xi32, #tpu.memory_space<vmem>> -> memref<2x128xi32, #tpu.memory_space<vmem>>
    %dma_wait3A_192 = arith.constant 0 : i32
    %dma_wait3A_193 = tpu.memref_slice %dma_wait3A_191[%dma_wait3A_179, %dma_wait3A_192] : memref<2x128xi32, #tpu.memory_space<vmem>> -> memref<1x128xi32, #tpu.memory_space<vmem>>
    %dma_wait3A_194 = tpu.memref_squeeze %dma_wait3A_193 : memref<1x128xi32, #tpu.memory_space<vmem>> -> memref<128xi32, #tpu.memory_space<vmem>>
    %dma_wait3A_195 = arith.constant 0 : i32
    %dma_wait3A_196 = arith.constant 0 : i32
    %dma_wait3A_197 = tpu.memref_slice %arg7[%dma_wait3A_195, %dma_wait3A_196] : memref<83x128xf32, #tpu.memory_space<vmem_shared>> -> memref<83x128xf32, #tpu.memory_space<vmem_shared>>
    tpu.wait_indirect_dma semaphore(%arg8 : memref<!tpu.dma_semaphore, #tpu.memory_space<semaphore_mem>>) src(%dma_wait3A_197 : memref<83x128xf32, #tpu.memory_space<vmem_shared>>) dst(%dma_wait3A_187 : memref<128x128xf32, #tpu.memory_space<vmem>>)
    %add3A_198 = arith.constant 0 : i32
    %add3A_199 = arith.addi %mul3A_2, %add3A_198 : i32
    %mul3A_200 = arith.constant 128 : i32
    %mul3A_201 = arith.muli %add3A_199, %mul3A_200 : i32
    %dma_start3A_202 = arith.constant 0 : i32
    %dma_start3A_203 = arith.constant 0 : i32
    %dma_start3A_204 = arith.constant 0 : i32
    %dma_start3A_205 = tpu.memref_slice %arg6[%dma_start3A_202, %dma_start3A_203, %dma_start3A_204] : memref<3x256x128xf32, #tpu.memory_space<vmem>> -> memref<1x256x128xf32, #tpu.memory_space<vmem>>
    %dma_start3A_206 = tpu.memref_squeeze %dma_start3A_205 : memref<1x256x128xf32, #tpu.memory_space<vmem>> -> memref<256x128xf32, #tpu.memory_space<vmem>>
    %dma_start3A_207 = arith.constant 0 : i32
    %dma_start3A_208 = tpu.memref_slice %arg4[%mul3A_201, %dma_start3A_207] : memref<3276800x128xf32, #tpu.memory_space<hbm>> -> memref<256x128xf32, #tpu.memory_space<hbm>>
    %dma_start3A_209 = arith.constant 0 : i32
    %dma_start3A_210 = tpu.memref_slice %arg4[%mul3A_201, %dma_start3A_209] : memref<3276800x128xf32, #tpu.memory_space<hbm>> -> memref<256x128xf32, #tpu.memory_space<hbm>>
    %dma_start3A_211 = arith.constant 0 : i32
    %dma_start3A_212 = arith.constant 0 : i32
    %dma_start3A_213 = tpu.memref_slice %arg6[%dma_start3A_202, %dma_start3A_211, %dma_start3A_212] : memref<3x256x128xf32, #tpu.memory_space<vmem>> -> memref<1x256x128xf32, #tpu.memory_space<vmem>>
    %dma_start3A_214 = tpu.memref_squeeze %dma_start3A_213 : memref<1x256x128xf32, #tpu.memory_space<vmem>> -> memref<256x128xf32, #tpu.memory_space<vmem>>
    tpu.enqueue_dma source(%dma_start3A_214 : memref<256x128xf32, #tpu.memory_space<vmem>>) target(%dma_start3A_210 : memref<256x128xf32, #tpu.memory_space<hbm>>) target_semaphore(%arg11 : memref<!tpu.dma_semaphore, #tpu.memory_space<semaphore_mem>>)
    %add3A_215 = arith.constant 4 : i32
    %add3A_216 = arith.addi %mul3A_2, %add3A_215 : i32
    %dma_wait3A_217 = arith.constant 2 : i32
    %dma_wait3A_218 = arith.constant 0 : i32
    %dma_wait3A_219 = arith.constant 0 : i32
    %dma_wait3A_220 = tpu.memref_slice %arg5[%dma_wait3A_217, %dma_wait3A_218, %dma_wait3A_219] : memref<3x2x128xi32, #tpu.memory_space<vmem>> -> memref<1x2x128xi32, #tpu.memory_space<vmem>>
    %dma_wait3A_221 = tpu.memref_squeeze %dma_wait3A_220 : memref<1x2x128xi32, #tpu.memory_space<vmem>> -> memref<2x128xi32, #tpu.memory_space<vmem>>
    %dma_wait3A_222 = arith.constant 0 : i32
    %dma_wait3A_223 = tpu.memref_slice %arg3[%add3A_216, %dma_wait3A_222] : memref<25600x128xi32, #tpu.memory_space<hbm>> -> memref<2x128xi32, #tpu.memory_space<hbm>>
    %dma_wait3A_224 = arith.constant 0 : i32
    %dma_wait3A_225 = arith.constant 0 : i32
    %dma_wait3A_226 = tpu.memref_slice %arg5[%dma_wait3A_217, %dma_wait3A_224, %dma_wait3A_225] : memref<3x2x128xi32, #tpu.memory_space<vmem>> -> memref<1x2x128xi32, #tpu.memory_space<vmem>>
    %dma_wait3A_227 = tpu.memref_squeeze %dma_wait3A_226 : memref<1x2x128xi32, #tpu.memory_space<vmem>> -> memref<2x128xi32, #tpu.memory_space<vmem>>
    %dma_wait3A_228 = arith.constant 0 : i32
    %dma_wait3A_229 = tpu.memref_slice %arg3[%add3A_216, %dma_wait3A_228] : memref<25600x128xi32, #tpu.memory_space<hbm>> -> memref<2x128xi32, #tpu.memory_space<hbm>>
    tpu.wait_dma2 semaphore(%arg16 : memref<!tpu.dma_semaphore, #tpu.memory_space<semaphore_mem>>) src(%dma_wait3A_229 : memref<2x128xi32, #tpu.memory_space<hbm>>) dst(%dma_wait3A_227 : memref<2x128xi32, #tpu.memory_space<vmem>>)
    %dma_start3A_230 = arith.constant 2 : i32
    %dma_start3A_231 = arith.constant 0 : i32
    %dma_start3A_232 = arith.constant 2 : i32
    %dma_start3A_233 = arith.constant 0 : i32
    %dma_start3A_234 = arith.constant 0 : i32
    %dma_start3A_235 = tpu.memref_slice %arg6[%dma_start3A_232, %dma_start3A_233, %dma_start3A_234] : memref<3x256x128xf32, #tpu.memory_space<vmem>> -> memref<1x256x128xf32, #tpu.memory_space<vmem>>
    %dma_start3A_236 = tpu.memref_squeeze %dma_start3A_235 : memref<1x256x128xf32, #tpu.memory_space<vmem>> -> memref<256x128xf32, #tpu.memory_space<vmem>>
    %dma_start3A_237 = arith.constant 0 : i32
    %dma_start3A_238 = arith.constant 0 : i32
    %dma_start3A_239 = tpu.memref_slice %dma_start3A_236[%dma_start3A_237, %dma_start3A_238] : memref<256x128xf32, #tpu.memory_space<vmem>> -> memref<128x128xf32, #tpu.memory_space<vmem>>
    %dma_start3A_240 = arith.constant 0 : i32
    %dma_start3A_241 = arith.constant 0 : i32
    %dma_start3A_242 = tpu.memref_slice %arg5[%dma_start3A_230, %dma_start3A_240, %dma_start3A_241] : memref<3x2x128xi32, #tpu.memory_space<vmem>> -> memref<1x2x128xi32, #tpu.memory_space<vmem>>
    %dma_start3A_243 = tpu.memref_squeeze %dma_start3A_242 : memref<1x2x128xi32, #tpu.memory_space<vmem>> -> memref<2x128xi32, #tpu.memory_space<vmem>>
    %dma_start3A_244 = arith.constant 0 : i32
    %dma_start3A_245 = tpu.memref_slice %dma_start3A_243[%dma_start3A_231, %dma_start3A_244] : memref<2x128xi32, #tpu.memory_space<vmem>> -> memref<1x128xi32, #tpu.memory_space<vmem>>
    %dma_start3A_246 = tpu.memref_squeeze %dma_start3A_245 : memref<1x128xi32, #tpu.memory_space<vmem>> -> memref<128xi32, #tpu.memory_space<vmem>>
    %dma_start3A_247 = arith.constant 0 : i32
    %dma_start3A_248 = arith.constant 0 : i32
    %dma_start3A_249 = tpu.memref_slice %arg7[%dma_start3A_247, %dma_start3A_248] : memref<83x128xf32, #tpu.memory_space<vmem_shared>> -> memref<83x128xf32, #tpu.memory_space<vmem_shared>>
    tpu.enqueue_indirect_dma source(%dma_start3A_249 : memref<83x128xf32, #tpu.memory_space<vmem_shared>>) target(%dma_start3A_239 : memref<128x128xf32, #tpu.memory_space<vmem>>) offsets(%dma_start3A_246 : memref<128xi32, #tpu.memory_space<vmem>>) semaphore(%arg10 : memref<!tpu.dma_semaphore, #tpu.memory_space<semaphore_mem>>)
    %dma_start3A_250 = arith.constant 2 : i32
    %dma_start3A_251 = arith.constant 1 : i32
    %dma_start3A_252 = arith.constant 2 : i32
    %dma_start3A_253 = arith.constant 0 : i32
    %dma_start3A_254 = arith.constant 0 : i32
    %dma_start3A_255 = tpu.memref_slice %arg6[%dma_start3A_252, %dma_start3A_253, %dma_start3A_254] : memref<3x256x128xf32, #tpu.memory_space<vmem>> -> memref<1x256x128xf32, #tpu.memory_space<vmem>>
    %dma_start3A_256 = tpu.memref_squeeze %dma_start3A_255 : memref<1x256x128xf32, #tpu.memory_space<vmem>> -> memref<256x128xf32, #tpu.memory_space<vmem>>
    %dma_start3A_257 = arith.constant 128 : i32
    %dma_start3A_258 = arith.constant 0 : i32
    %dma_start3A_259 = tpu.memref_slice %dma_start3A_256[%dma_start3A_257, %dma_start3A_258] : memref<256x128xf32, #tpu.memory_space<vmem>> -> memref<128x128xf32, #tpu.memory_space<vmem>>
    %dma_start3A_260 = arith.constant 0 : i32
    %dma_start3A_261 = arith.constant 0 : i32
    %dma_start3A_262 = tpu.memref_slice %arg5[%dma_start3A_250, %dma_start3A_260, %dma_start3A_261] : memref<3x2x128xi32, #tpu.memory_space<vmem>> -> memref<1x2x128xi32, #tpu.memory_space<vmem>>
    %dma_start3A_263 = tpu.memref_squeeze %dma_start3A_262 : memref<1x2x128xi32, #tpu.memory_space<vmem>> -> memref<2x128xi32, #tpu.memory_space<vmem>>
    %dma_start3A_264 = arith.constant 0 : i32
    %dma_start3A_265 = tpu.memref_slice %dma_start3A_263[%dma_start3A_251, %dma_start3A_264] : memref<2x128xi32, #tpu.memory_space<vmem>> -> memref<1x128xi32, #tpu.memory_space<vmem>>
    %dma_start3A_266 = tpu.memref_squeeze %dma_start3A_265 : memref<1x128xi32, #tpu.memory_space<vmem>> -> memref<128xi32, #tpu.memory_space<vmem>>
    %dma_start3A_267 = arith.constant 0 : i32
    %dma_start3A_268 = arith.constant 0 : i32
    %dma_start3A_269 = tpu.memref_slice %arg7[%dma_start3A_267, %dma_start3A_268] : memref<83x128xf32, #tpu.memory_space<vmem_shared>> -> memref<83x128xf32, #tpu.memory_space<vmem_shared>>
    tpu.enqueue_indirect_dma source(%dma_start3A_269 : memref<83x128xf32, #tpu.memory_space<vmem_shared>>) target(%dma_start3A_259 : memref<128x128xf32, #tpu.memory_space<vmem>>) offsets(%dma_start3A_266 : memref<128xi32, #tpu.memory_space<vmem>>) semaphore(%arg10 : memref<!tpu.dma_semaphore, #tpu.memory_space<semaphore_mem>>)
    %add3A_270 = arith.constant 6 : i32
    %add3A_271 = arith.addi %mul3A_2, %add3A_270 : i32
    %dma_start3A_272 = arith.constant 0 : i32
    %dma_start3A_273 = arith.constant 0 : i32
    %dma_start3A_274 = arith.constant 0 : i32
    %dma_start3A_275 = tpu.memref_slice %arg5[%dma_start3A_272, %dma_start3A_273, %dma_start3A_274] : memref<3x2x128xi32, #tpu.memory_space<vmem>> -> memref<1x2x128xi32, #tpu.memory_space<vmem>>
    %dma_start3A_276 = tpu.memref_squeeze %dma_start3A_275 : memref<1x2x128xi32, #tpu.memory_space<vmem>> -> memref<2x128xi32, #tpu.memory_space<vmem>>
    %dma_start3A_277 = arith.constant 0 : i32
    %dma_start3A_278 = tpu.memref_slice %arg3[%add3A_271, %dma_start3A_277] : memref<25600x128xi32, #tpu.memory_space<hbm>> -> memref<2x128xi32, #tpu.memory_space<hbm>>
    %dma_start3A_279 = arith.constant 0 : i32
    %dma_start3A_280 = arith.constant 0 : i32
    %dma_start3A_281 = tpu.memref_slice %arg5[%dma_start3A_272, %dma_start3A_279, %dma_start3A_280] : memref<3x2x128xi32, #tpu.memory_space<vmem>> -> memref<1x2x128xi32, #tpu.memory_space<vmem>>
    %dma_start3A_282 = tpu.memref_squeeze %dma_start3A_281 : memref<1x2x128xi32, #tpu.memory_space<vmem>> -> memref<2x128xi32, #tpu.memory_space<vmem>>
    %dma_start3A_283 = arith.constant 0 : i32
    %dma_start3A_284 = tpu.memref_slice %arg3[%add3A_271, %dma_start3A_283] : memref<25600x128xi32, #tpu.memory_space<hbm>> -> memref<2x128xi32, #tpu.memory_space<hbm>>
    tpu.enqueue_dma source(%dma_start3A_284 : memref<2x128xi32, #tpu.memory_space<hbm>>) target(%dma_start3A_282 : memref<2x128xi32, #tpu.memory_space<vmem>>) target_semaphore(%arg14 : memref<!tpu.dma_semaphore, #tpu.memory_space<semaphore_mem>>)
    %dma_wait3A_285 = arith.constant 1 : i32
    %dma_wait3A_286 = arith.constant 0 : i32
    %dma_wait3A_287 = arith.constant 1 : i32
    %dma_wait3A_288 = arith.constant 0 : i32
    %dma_wait3A_289 = arith.constant 0 : i32
    %dma_wait3A_290 = tpu.memref_slice %arg6[%dma_wait3A_287, %dma_wait3A_288, %dma_wait3A_289] : memref<3x256x128xf32, #tpu.memory_space<vmem>> -> memref<1x256x128xf32, #tpu.memory_space<vmem>>
    %dma_wait3A_291 = tpu.memref_squeeze %dma_wait3A_290 : memref<1x256x128xf32, #tpu.memory_space<vmem>> -> memref<256x128xf32, #tpu.memory_space<vmem>>
    %dma_wait3A_292 = arith.constant 0 : i32
    %dma_wait3A_293 = arith.constant 0 : i32
    %dma_wait3A_294 = tpu.memref_slice %dma_wait3A_291[%dma_wait3A_292, %dma_wait3A_293] : memref<256x128xf32, #tpu.memory_space<vmem>> -> memref<128x128xf32, #tpu.memory_space<vmem>>
    %dma_wait3A_295 = arith.constant 0 : i32
    %dma_wait3A_296 = arith.constant 0 : i32
    %dma_wait3A_297 = tpu.memref_slice %arg5[%dma_wait3A_285, %dma_wait3A_295, %dma_wait3A_296] : memref<3x2x128xi32, #tpu.memory_space<vmem>> -> memref<1x2x128xi32, #tpu.memory_space<vmem>>
    %dma_wait3A_298 = tpu.memref_squeeze %dma_wait3A_297 : memref<1x2x128xi32, #tpu.memory_space<vmem>> -> memref<2x128xi32, #tpu.memory_space<vmem>>
    %dma_wait3A_299 = arith.constant 0 : i32
    %dma_wait3A_300 = tpu.memref_slice %dma_wait3A_298[%dma_wait3A_286, %dma_wait3A_299] : memref<2x128xi32, #tpu.memory_space<vmem>> -> memref<1x128xi32, #tpu.memory_space<vmem>>
    %dma_wait3A_301 = tpu.memref_squeeze %dma_wait3A_300 : memref<1x128xi32, #tpu.memory_space<vmem>> -> memref<128xi32, #tpu.memory_space<vmem>>
    %dma_wait3A_302 = arith.constant 0 : i32
    %dma_wait3A_303 = arith.constant 0 : i32
    %dma_wait3A_304 = tpu.memref_slice %arg7[%dma_wait3A_302, %dma_wait3A_303] : memref<83x128xf32, #tpu.memory_space<vmem_shared>> -> memref<83x128xf32, #tpu.memory_space<vmem_shared>>
    tpu.wait_indirect_dma semaphore(%arg9 : memref<!tpu.dma_semaphore, #tpu.memory_space<semaphore_mem>>) src(%dma_wait3A_304 : memref<83x128xf32, #tpu.memory_space<vmem_shared>>) dst(%dma_wait3A_294 : memref<128x128xf32, #tpu.memory_space<vmem>>)
    %dma_wait3A_305 = arith.constant 1 : i32
    %dma_wait3A_306 = arith.constant 1 : i32
    %dma_wait3A_307 = arith.constant 1 : i32
    %dma_wait3A_308 = arith.constant 0 : i32
    %dma_wait3A_309 = arith.constant 0 : i32
    %dma_wait3A_310 = tpu.memref_slice %arg6[%dma_wait3A_307, %dma_wait3A_308, %dma_wait3A_309] : memref<3x256x128xf32, #tpu.memory_space<vmem>> -> memref<1x256x128xf32, #tpu.memory_space<vmem>>
    %dma_wait3A_311 = tpu.memref_squeeze %dma_wait3A_310 : memref<1x256x128xf32, #tpu.memory_space<vmem>> -> memref<256x128xf32, #tpu.memory_space<vmem>>
    %dma_wait3A_312 = arith.constant 128 : i32
    %dma_wait3A_313 = arith.constant 0 : i32
    %dma_wait3A_314 = tpu.memref_slice %dma_wait3A_311[%dma_wait3A_312, %dma_wait3A_313] : memref<256x128xf32, #tpu.memory_space<vmem>> -> memref<128x128xf32, #tpu.memory_space<vmem>>
    %dma_wait3A_315 = arith.constant 0 : i32
    %dma_wait3A_316 = arith.constant 0 : i32
    %dma_wait3A_317 = tpu.memref_slice %arg5[%dma_wait3A_305, %dma_wait3A_315, %dma_wait3A_316] : memref<3x2x128xi32, #tpu.memory_space<vmem>> -> memref<1x2x128xi32, #tpu.memory_space<vmem>>
    %dma_wait3A_318 = tpu.memref_squeeze %dma_wait3A_317 : memref<1x2x128xi32, #tpu.memory_space<vmem>> -> memref<2x128xi32, #tpu.memory_space<vmem>>
    %dma_wait3A_319 = arith.constant 0 : i32
    %dma_wait3A_320 = tpu.memref_slice %dma_wait3A_318[%dma_wait3A_306, %dma_wait3A_319] : memref<2x128xi32, #tpu.memory_space<vmem>> -> memref<1x128xi32, #tpu.memory_space<vmem>>
    %dma_wait3A_321 = tpu.memref_squeeze %dma_wait3A_320 : memref<1x128xi32, #tpu.memory_space<vmem>> -> memref<128xi32, #tpu.memory_space<vmem>>
    %dma_wait3A_322 = arith.constant 0 : i32
    %dma_wait3A_323 = arith.constant 0 : i32
    %dma_wait3A_324 = tpu.memref_slice %arg7[%dma_wait3A_322, %dma_wait3A_323] : memref<83x128xf32, #tpu.memory_space<vmem_shared>> -> memref<83x128xf32, #tpu.memory_space<vmem_shared>>
    tpu.wait_indirect_dma semaphore(%arg9 : memref<!tpu.dma_semaphore, #tpu.memory_space<semaphore_mem>>) src(%dma_wait3A_324 : memref<83x128xf32, #tpu.memory_space<vmem_shared>>) dst(%dma_wait3A_314 : memref<128x128xf32, #tpu.memory_space<vmem>>)
    %add3A_325 = arith.constant 2 : i32
    %add3A_326 = arith.addi %mul3A_2, %add3A_325 : i32
    %mul3A_327 = arith.constant 128 : i32
    %mul3A_328 = arith.muli %add3A_326, %mul3A_327 : i32
    %dma_start3A_329 = arith.constant 1 : i32
    %dma_start3A_330 = arith.constant 0 : i32
    %dma_start3A_331 = arith.constant 0 : i32
    %dma_start3A_332 = tpu.memref_slice %arg6[%dma_start3A_329, %dma_start3A_330, %dma_start3A_331] : memref<3x256x128xf32, #tpu.memory_space<vmem>> -> memref<1x256x128xf32, #tpu.memory_space<vmem>>
    %dma_start3A_333 = tpu.memref_squeeze %dma_start3A_332 : memref<1x256x128xf32, #tpu.memory_space<vmem>> -> memref<256x128xf32, #tpu.memory_space<vmem>>
    %dma_start3A_334 = arith.constant 0 : i32
    %dma_start3A_335 = tpu.memref_slice %arg4[%mul3A_328, %dma_start3A_334] : memref<3276800x128xf32, #tpu.memory_space<hbm>> -> memref<256x128xf32, #tpu.memory_space<hbm>>
    %dma_start3A_336 = arith.constant 0 : i32
    %dma_start3A_337 = tpu.memref_slice %arg4[%mul3A_328, %dma_start3A_336] : memref<3276800x128xf32, #tpu.memory_space<hbm>> -> memref<256x128xf32, #tpu.memory_space<hbm>>
    %dma_start3A_338 = arith.constant 0 : i32
    %dma_start3A_339 = arith.constant 0 : i32
    %dma_start3A_340 = tpu.memref_slice %arg6[%dma_start3A_329, %dma_start3A_338, %dma_start3A_339] : memref<3x256x128xf32, #tpu.memory_space<vmem>> -> memref<1x256x128xf32, #tpu.memory_space<vmem>>
    %dma_start3A_341 = tpu.memref_squeeze %dma_start3A_340 : memref<1x256x128xf32, #tpu.memory_space<vmem>> -> memref<256x128xf32, #tpu.memory_space<vmem>>
    tpu.enqueue_dma source(%dma_start3A_341 : memref<256x128xf32, #tpu.memory_space<vmem>>) target(%dma_start3A_337 : memref<256x128xf32, #tpu.memory_space<hbm>>) target_semaphore(%arg12 : memref<!tpu.dma_semaphore, #tpu.memory_space<semaphore_mem>>)
    %scan3A = arith.constant 0 : i32
    %scan3A_342 = arith.constant 0 : i32
    %scan3A_343 = arith.constant 132 : i32
    %scan3A_344 = arith.addi %scan3A_342, %scan3A_343 : i32
    %scan3A_345 = arith.constant 1 : i32
    scf.for %scan3A_584 = %scan3A_342 to %scan3A_344 step %scan3A_345  : i32 {
      %mul3A_585 = arith.constant 3 : i32
      %mul3A_586 = arith.muli %scan3A_584, %mul3A_585 : i32
      %add3A_587 = arith.constant 2 : i32
      %add3A_588 = arith.addi %add3A_587, %mul3A_586 : i32
      %sub3A = arith.constant 2 : i32
      %sub3A_589 = arith.subi %add3A_588, %sub3A : i32
      %mul3A_590 = arith.constant 2 : i32
      %mul3A_591 = arith.muli %sub3A_589, %mul3A_590 : i32
      %add3A_592 = arith.addi %mul3A_2, %mul3A_591 : i32
      %mul3A_593 = arith.constant 128 : i32
      %mul3A_594 = arith.muli %add3A_592, %mul3A_593 : i32
      %dma_wait3A_595 = arith.constant 0 : i32
      %dma_wait3A_596 = arith.constant 0 : i32
      %dma_wait3A_597 = arith.constant 0 : i32
      %dma_wait3A_598 = tpu.memref_slice %arg6[%dma_wait3A_595, %dma_wait3A_596, %dma_wait3A_597] : memref<3x256x128xf32, #tpu.memory_space<vmem>> -> memref<1x256x128xf32, #tpu.memory_space<vmem>>
      %dma_wait3A_599 = tpu.memref_squeeze %dma_wait3A_598 : memref<1x256x128xf32, #tpu.memory_space<vmem>> -> memref<256x128xf32, #tpu.memory_space<vmem>>
      %dma_wait3A_600 = arith.constant 0 : i32
      %dma_wait3A_601 = tpu.memref_slice %arg4[%mul3A_594, %dma_wait3A_600] : memref<3276800x128xf32, #tpu.memory_space<hbm>> -> memref<256x128xf32, #tpu.memory_space<hbm>>
      %dma_wait3A_602 = arith.constant 0 : i32
      %dma_wait3A_603 = tpu.memref_slice %arg4[%mul3A_594, %dma_wait3A_602] : memref<3276800x128xf32, #tpu.memory_space<hbm>> -> memref<256x128xf32, #tpu.memory_space<hbm>>
      %dma_wait3A_604 = arith.constant 0 : i32
      %dma_wait3A_605 = arith.constant 0 : i32
      %dma_wait3A_606 = tpu.memref_slice %arg6[%dma_wait3A_595, %dma_wait3A_604, %dma_wait3A_605] : memref<3x256x128xf32, #tpu.memory_space<vmem>> -> memref<1x256x128xf32, #tpu.memory_space<vmem>>
      %dma_wait3A_607 = tpu.memref_squeeze %dma_wait3A_606 : memref<1x256x128xf32, #tpu.memory_space<vmem>> -> memref<256x128xf32, #tpu.memory_space<vmem>>
      tpu.wait_dma2 semaphore(%arg11 : memref<!tpu.dma_semaphore, #tpu.memory_space<semaphore_mem>>) src(%dma_wait3A_607 : memref<256x128xf32, #tpu.memory_space<vmem>>) dst(%dma_wait3A_603 : memref<256x128xf32, #tpu.memory_space<hbm>>)
      %add3A_608 = arith.constant 1 : i32
      %add3A_609 = arith.addi %add3A_588, %add3A_608 : i32
      %mul3A_610 = arith.constant 2 : i32
      %mul3A_611 = arith.muli %add3A_609, %mul3A_610 : i32
      %add3A_612 = arith.addi %mul3A_2, %mul3A_611 : i32
      %dma_wait3A_613 = arith.constant 0 : i32
      %dma_wait3A_614 = arith.constant 0 : i32
      %dma_wait3A_615 = arith.constant 0 : i32
      %dma_wait3A_616 = tpu.memref_slice %arg5[%dma_wait3A_613, %dma_wait3A_614, %dma_wait3A_615] : memref<3x2x128xi32, #tpu.memory_space<vmem>> -> memref<1x2x128xi32, #tpu.memory_space<vmem>>
      %dma_wait3A_617 = tpu.memref_squeeze %dma_wait3A_616 : memref<1x2x128xi32, #tpu.memory_space<vmem>> -> memref<2x128xi32, #tpu.memory_space<vmem>>
      %dma_wait3A_618 = arith.constant 0 : i32
      %dma_wait3A_619 = tpu.memref_slice %arg3[%add3A_612, %dma_wait3A_618] : memref<25600x128xi32, #tpu.memory_space<hbm>> -> memref<2x128xi32, #tpu.memory_space<hbm>>
      %dma_wait3A_620 = arith.constant 0 : i32
      %dma_wait3A_621 = arith.constant 0 : i32
      %dma_wait3A_622 = tpu.memref_slice %arg5[%dma_wait3A_613, %dma_wait3A_620, %dma_wait3A_621] : memref<3x2x128xi32, #tpu.memory_space<vmem>> -> memref<1x2x128xi32, #tpu.memory_space<vmem>>
      %dma_wait3A_623 = tpu.memref_squeeze %dma_wait3A_622 : memref<1x2x128xi32, #tpu.memory_space<vmem>> -> memref<2x128xi32, #tpu.memory_space<vmem>>
      %dma_wait3A_624 = arith.constant 0 : i32
      %dma_wait3A_625 = tpu.memref_slice %arg3[%add3A_612, %dma_wait3A_624] : memref<25600x128xi32, #tpu.memory_space<hbm>> -> memref<2x128xi32, #tpu.memory_space<hbm>>
      tpu.wait_dma2 semaphore(%arg14 : memref<!tpu.dma_semaphore, #tpu.memory_space<semaphore_mem>>) src(%dma_wait3A_625 : memref<2x128xi32, #tpu.memory_space<hbm>>) dst(%dma_wait3A_623 : memref<2x128xi32, #tpu.memory_space<vmem>>)
      %add3A_626 = arith.constant 1 : i32
      %add3A_627 = arith.addi %add3A_588, %add3A_626 : i32
      %dma_start3A_628 = arith.constant 0 : i32
      %dma_start3A_629 = arith.constant 0 : i32
      %dma_start3A_630 = arith.constant 0 : i32
      %dma_start3A_631 = arith.constant 0 : i32
      %dma_start3A_632 = arith.constant 0 : i32
      %dma_start3A_633 = tpu.memref_slice %arg6[%dma_start3A_630, %dma_start3A_631, %dma_start3A_632] : memref<3x256x128xf32, #tpu.memory_space<vmem>> -> memref<1x256x128xf32, #tpu.memory_space<vmem>>
      %dma_start3A_634 = tpu.memref_squeeze %dma_start3A_633 : memref<1x256x128xf32, #tpu.memory_space<vmem>> -> memref<256x128xf32, #tpu.memory_space<vmem>>
      %dma_start3A_635 = arith.constant 0 : i32
      %dma_start3A_636 = arith.constant 0 : i32
      %dma_start3A_637 = tpu.memref_slice %dma_start3A_634[%dma_start3A_635, %dma_start3A_636] : memref<256x128xf32, #tpu.memory_space<vmem>> -> memref<128x128xf32, #tpu.memory_space<vmem>>
      %dma_start3A_638 = arith.constant 0 : i32
      %dma_start3A_639 = arith.constant 0 : i32
      %dma_start3A_640 = tpu.memref_slice %arg5[%dma_start3A_628, %dma_start3A_638, %dma_start3A_639] : memref<3x2x128xi32, #tpu.memory_space<vmem>> -> memref<1x2x128xi32, #tpu.memory_space<vmem>>
      %dma_start3A_641 = tpu.memref_squeeze %dma_start3A_640 : memref<1x2x128xi32, #tpu.memory_space<vmem>> -> memref<2x128xi32, #tpu.memory_space<vmem>>
      %dma_start3A_642 = arith.constant 0 : i32
      %dma_start3A_643 = tpu.memref_slice %dma_start3A_641[%dma_start3A_629, %dma_start3A_642] : memref<2x128xi32, #tpu.memory_space<vmem>> -> memref<1x128xi32, #tpu.memory_space<vmem>>
      %dma_start3A_644 = tpu.memref_squeeze %dma_start3A_643 : memref<1x128xi32, #tpu.memory_space<vmem>> -> memref<128xi32, #tpu.memory_space<vmem>>
      %dma_start3A_645 = arith.constant 0 : i32
      %dma_start3A_646 = arith.constant 0 : i32
      %dma_start3A_647 = tpu.memref_slice %arg7[%dma_start3A_645, %dma_start3A_646] : memref<83x128xf32, #tpu.memory_space<vmem_shared>> -> memref<83x128xf32, #tpu.memory_space<vmem_shared>>
      tpu.enqueue_indirect_dma source(%dma_start3A_647 : memref<83x128xf32, #tpu.memory_space<vmem_shared>>) target(%dma_start3A_637 : memref<128x128xf32, #tpu.memory_space<vmem>>) offsets(%dma_start3A_644 : memref<128xi32, #tpu.memory_space<vmem>>) semaphore(%arg8 : memref<!tpu.dma_semaphore, #tpu.memory_space<semaphore_mem>>)
      %dma_start3A_648 = arith.constant 0 : i32
      %dma_start3A_649 = arith.constant 1 : i32
      %dma_start3A_650 = arith.constant 0 : i32
      %dma_start3A_651 = arith.constant 0 : i32
      %dma_start3A_652 = arith.constant 0 : i32
      %dma_start3A_653 = tpu.memref_slice %arg6[%dma_start3A_650, %dma_start3A_651, %dma_start3A_652] : memref<3x256x128xf32, #tpu.memory_space<vmem>> -> memref<1x256x128xf32, #tpu.memory_space<vmem>>
      %dma_start3A_654 = tpu.memref_squeeze %dma_start3A_653 : memref<1x256x128xf32, #tpu.memory_space<vmem>> -> memref<256x128xf32, #tpu.memory_space<vmem>>
      %dma_start3A_655 = arith.constant 128 : i32
      %dma_start3A_656 = arith.constant 0 : i32
      %dma_start3A_657 = tpu.memref_slice %dma_start3A_654[%dma_start3A_655, %dma_start3A_656] : memref<256x128xf32, #tpu.memory_space<vmem>> -> memref<128x128xf32, #tpu.memory_space<vmem>>
      %dma_start3A_658 = arith.constant 0 : i32
      %dma_start3A_659 = arith.constant 0 : i32
      %dma_start3A_660 = tpu.memref_slice %arg5[%dma_start3A_648, %dma_start3A_658, %dma_start3A_659] : memref<3x2x128xi32, #tpu.memory_space<vmem>> -> memref<1x2x128xi32, #tpu.memory_space<vmem>>
      %dma_start3A_661 = tpu.memref_squeeze %dma_start3A_660 : memref<1x2x128xi32, #tpu.memory_space<vmem>> -> memref<2x128xi32, #tpu.memory_space<vmem>>
      %dma_start3A_662 = arith.constant 0 : i32
      %dma_start3A_663 = tpu.memref_slice %dma_start3A_661[%dma_start3A_649, %dma_start3A_662] : memref<2x128xi32, #tpu.memory_space<vmem>> -> memref<1x128xi32, #tpu.memory_space<vmem>>
      %dma_start3A_664 = tpu.memref_squeeze %dma_start3A_663 : memref<1x128xi32, #tpu.memory_space<vmem>> -> memref<128xi32, #tpu.memory_space<vmem>>
      %dma_start3A_665 = arith.constant 0 : i32
      %dma_start3A_666 = arith.constant 0 : i32
      %dma_start3A_667 = tpu.memref_slice %arg7[%dma_start3A_665, %dma_start3A_666] : memref<83x128xf32, #tpu.memory_space<vmem_shared>> -> memref<83x128xf32, #tpu.memory_space<vmem_shared>>
      tpu.enqueue_indirect_dma source(%dma_start3A_667 : memref<83x128xf32, #tpu.memory_space<vmem_shared>>) target(%dma_start3A_657 : memref<128x128xf32, #tpu.memory_space<vmem>>) offsets(%dma_start3A_664 : memref<128xi32, #tpu.memory_space<vmem>>) semaphore(%arg8 : memref<!tpu.dma_semaphore, #tpu.memory_space<semaphore_mem>>)
      %add3A_668 = arith.constant 2 : i32
      %add3A_669 = arith.addi %add3A_588, %add3A_668 : i32
      %mul3A_670 = arith.constant 2 : i32
      %mul3A_671 = arith.muli %add3A_669, %mul3A_670 : i32
      %add3A_672 = arith.addi %mul3A_2, %mul3A_671 : i32
      %dma_start3A_673 = arith.constant 1 : i32
      %dma_start3A_674 = arith.constant 0 : i32
      %dma_start3A_675 = arith.constant 0 : i32
      %dma_start3A_676 = tpu.memref_slice %arg5[%dma_start3A_673, %dma_start3A_674, %dma_start3A_675] : memref<3x2x128xi32, #tpu.memory_space<vmem>> -> memref<1x2x128xi32, #tpu.memory_space<vmem>>
      %dma_start3A_677 = tpu.memref_squeeze %dma_start3A_676 : memref<1x2x128xi32, #tpu.memory_space<vmem>> -> memref<2x128xi32, #tpu.memory_space<vmem>>
      %dma_start3A_678 = arith.constant 0 : i32
      %dma_start3A_679 = tpu.memref_slice %arg3[%add3A_672, %dma_start3A_678] : memref<25600x128xi32, #tpu.memory_space<hbm>> -> memref<2x128xi32, #tpu.memory_space<hbm>>
      %dma_start3A_680 = arith.constant 0 : i32
      %dma_start3A_681 = arith.constant 0 : i32
      %dma_start3A_682 = tpu.memref_slice %arg5[%dma_start3A_673, %dma_start3A_680, %dma_start3A_681] : memref<3x2x128xi32, #tpu.memory_space<vmem>> -> memref<1x2x128xi32, #tpu.memory_space<vmem>>
      %dma_start3A_683 = tpu.memref_squeeze %dma_start3A_682 : memref<1x2x128xi32, #tpu.memory_space<vmem>> -> memref<2x128xi32, #tpu.memory_space<vmem>>
      %dma_start3A_684 = arith.constant 0 : i32
      %dma_start3A_685 = tpu.memref_slice %arg3[%add3A_672, %dma_start3A_684] : memref<25600x128xi32, #tpu.memory_space<hbm>> -> memref<2x128xi32, #tpu.memory_space<hbm>>
      tpu.enqueue_dma source(%dma_start3A_685 : memref<2x128xi32, #tpu.memory_space<hbm>>) target(%dma_start3A_683 : memref<2x128xi32, #tpu.memory_space<vmem>>) target_semaphore(%arg15 : memref<!tpu.dma_semaphore, #tpu.memory_space<semaphore_mem>>)
      %dma_wait3A_686 = arith.constant 2 : i32
      %dma_wait3A_687 = arith.constant 0 : i32
      %dma_wait3A_688 = arith.constant 2 : i32
      %dma_wait3A_689 = arith.constant 0 : i32
      %dma_wait3A_690 = arith.constant 0 : i32
      %dma_wait3A_691 = tpu.memref_slice %arg6[%dma_wait3A_688, %dma_wait3A_689, %dma_wait3A_690] : memref<3x256x128xf32, #tpu.memory_space<vmem>> -> memref<1x256x128xf32, #tpu.memory_space<vmem>>
      %dma_wait3A_692 = tpu.memref_squeeze %dma_wait3A_691 : memref<1x256x128xf32, #tpu.memory_space<vmem>> -> memref<256x128xf32, #tpu.memory_space<vmem>>
      %dma_wait3A_693 = arith.constant 0 : i32
      %dma_wait3A_694 = arith.constant 0 : i32
      %dma_wait3A_695 = tpu.memref_slice %dma_wait3A_692[%dma_wait3A_693, %dma_wait3A_694] : memref<256x128xf32, #tpu.memory_space<vmem>> -> memref<128x128xf32, #tpu.memory_space<vmem>>
      %dma_wait3A_696 = arith.constant 0 : i32
      %dma_wait3A_697 = arith.constant 0 : i32
      %dma_wait3A_698 = tpu.memref_slice %arg5[%dma_wait3A_686, %dma_wait3A_696, %dma_wait3A_697] : memref<3x2x128xi32, #tpu.memory_space<vmem>> -> memref<1x2x128xi32, #tpu.memory_space<vmem>>
      %dma_wait3A_699 = tpu.memref_squeeze %dma_wait3A_698 : memref<1x2x128xi32, #tpu.memory_space<vmem>> -> memref<2x128xi32, #tpu.memory_space<vmem>>
      %dma_wait3A_700 = arith.constant 0 : i32
      %dma_wait3A_701 = tpu.memref_slice %dma_wait3A_699[%dma_wait3A_687, %dma_wait3A_700] : memref<2x128xi32, #tpu.memory_space<vmem>> -> memref<1x128xi32, #tpu.memory_space<vmem>>
      %dma_wait3A_702 = tpu.memref_squeeze %dma_wait3A_701 : memref<1x128xi32, #tpu.memory_space<vmem>> -> memref<128xi32, #tpu.memory_space<vmem>>
      %dma_wait3A_703 = arith.constant 0 : i32
      %dma_wait3A_704 = arith.constant 0 : i32
      %dma_wait3A_705 = tpu.memref_slice %arg7[%dma_wait3A_703, %dma_wait3A_704] : memref<83x128xf32, #tpu.memory_space<vmem_shared>> -> memref<83x128xf32, #tpu.memory_space<vmem_shared>>
      tpu.wait_indirect_dma semaphore(%arg10 : memref<!tpu.dma_semaphore, #tpu.memory_space<semaphore_mem>>) src(%dma_wait3A_705 : memref<83x128xf32, #tpu.memory_space<vmem_shared>>) dst(%dma_wait3A_695 : memref<128x128xf32, #tpu.memory_space<vmem>>)
      %dma_wait3A_706 = arith.constant 2 : i32
      %dma_wait3A_707 = arith.constant 1 : i32
      %dma_wait3A_708 = arith.constant 2 : i32
      %dma_wait3A_709 = arith.constant 0 : i32
      %dma_wait3A_710 = arith.constant 0 : i32
      %dma_wait3A_711 = tpu.memref_slice %arg6[%dma_wait3A_708, %dma_wait3A_709, %dma_wait3A_710] : memref<3x256x128xf32, #tpu.memory_space<vmem>> -> memref<1x256x128xf32, #tpu.memory_space<vmem>>
      %dma_wait3A_712 = tpu.memref_squeeze %dma_wait3A_711 : memref<1x256x128xf32, #tpu.memory_space<vmem>> -> memref<256x128xf32, #tpu.memory_space<vmem>>
      %dma_wait3A_713 = arith.constant 128 : i32
      %dma_wait3A_714 = arith.constant 0 : i32
      %dma_wait3A_715 = tpu.memref_slice %dma_wait3A_712[%dma_wait3A_713, %dma_wait3A_714] : memref<256x128xf32, #tpu.memory_space<vmem>> -> memref<128x128xf32, #tpu.memory_space<vmem>>
      %dma_wait3A_716 = arith.constant 0 : i32
      %dma_wait3A_717 = arith.constant 0 : i32
      %dma_wait3A_718 = tpu.memref_slice %arg5[%dma_wait3A_706, %dma_wait3A_716, %dma_wait3A_717] : memref<3x2x128xi32, #tpu.memory_space<vmem>> -> memref<1x2x128xi32, #tpu.memory_space<vmem>>
      %dma_wait3A_719 = tpu.memref_squeeze %dma_wait3A_718 : memref<1x2x128xi32, #tpu.memory_space<vmem>> -> memref<2x128xi32, #tpu.memory_space<vmem>>
      %dma_wait3A_720 = arith.constant 0 : i32
      %dma_wait3A_721 = tpu.memref_slice %dma_wait3A_719[%dma_wait3A_707, %dma_wait3A_720] : memref<2x128xi32, #tpu.memory_space<vmem>> -> memref<1x128xi32, #tpu.memory_space<vmem>>
      %dma_wait3A_722 = tpu.memref_squeeze %dma_wait3A_721 : memref<1x128xi32, #tpu.memory_space<vmem>> -> memref<128xi32, #tpu.memory_space<vmem>>
      %dma_wait3A_723 = arith.constant 0 : i32
      %dma_wait3A_724 = arith.constant 0 : i32
      %dma_wait3A_725 = tpu.memref_slice %arg7[%dma_wait3A_723, %dma_wait3A_724] : memref<83x128xf32, #tpu.memory_space<vmem_shared>> -> memref<83x128xf32, #tpu.memory_space<vmem_shared>>
      tpu.wait_indirect_dma semaphore(%arg10 : memref<!tpu.dma_semaphore, #tpu.memory_space<semaphore_mem>>) src(%dma_wait3A_725 : memref<83x128xf32, #tpu.memory_space<vmem_shared>>) dst(%dma_wait3A_715 : memref<128x128xf32, #tpu.memory_space<vmem>>)
      %mul3A_726 = arith.constant 2 : i32
      %mul3A_727 = arith.muli %add3A_588, %mul3A_726 : i32
      %add3A_728 = arith.addi %mul3A_2, %mul3A_727 : i32
      %mul3A_729 = arith.constant 128 : i32
      %mul3A_730 = arith.muli %add3A_728, %mul3A_729 : i32
      %dma_start3A_731 = arith.constant 2 : i32
      %dma_start3A_732 = arith.constant 0 : i32
      %dma_start3A_733 = arith.constant 0 : i32
      %dma_start3A_734 = tpu.memref_slice %arg6[%dma_start3A_731, %dma_start3A_732, %dma_start3A_733] : memref<3x256x128xf32, #tpu.memory_space<vmem>> -> memref<1x256x128xf32, #tpu.memory_space<vmem>>
      %dma_start3A_735 = tpu.memref_squeeze %dma_start3A_734 : memref<1x256x128xf32, #tpu.memory_space<vmem>> -> memref<256x128xf32, #tpu.memory_space<vmem>>
      %dma_start3A_736 = arith.constant 0 : i32
      %dma_start3A_737 = tpu.memref_slice %arg4[%mul3A_730, %dma_start3A_736] : memref<3276800x128xf32, #tpu.memory_space<hbm>> -> memref<256x128xf32, #tpu.memory_space<hbm>>
      %dma_start3A_738 = arith.constant 0 : i32
      %dma_start3A_739 = tpu.memref_slice %arg4[%mul3A_730, %dma_start3A_738] : memref<3276800x128xf32, #tpu.memory_space<hbm>> -> memref<256x128xf32, #tpu.memory_space<hbm>>
      %dma_start3A_740 = arith.constant 0 : i32
      %dma_start3A_741 = arith.constant 0 : i32
      %dma_start3A_742 = tpu.memref_slice %arg6[%dma_start3A_731, %dma_start3A_740, %dma_start3A_741] : memref<3x256x128xf32, #tpu.memory_space<vmem>> -> memref<1x256x128xf32, #tpu.memory_space<vmem>>
      %dma_start3A_743 = tpu.memref_squeeze %dma_start3A_742 : memref<1x256x128xf32, #tpu.memory_space<vmem>> -> memref<256x128xf32, #tpu.memory_space<vmem>>
      tpu.enqueue_dma source(%dma_start3A_743 : memref<256x128xf32, #tpu.memory_space<vmem>>) target(%dma_start3A_739 : memref<256x128xf32, #tpu.memory_space<hbm>>) target_semaphore(%arg13 : memref<!tpu.dma_semaphore, #tpu.memory_space<semaphore_mem>>)
      %add3A_744 = arith.constant 1 : i32
      %add3A_745 = arith.addi %add3A_588, %add3A_744 : i32
      %sub3A_746 = arith.constant 2 : i32
      %sub3A_747 = arith.subi %add3A_745, %sub3A_746 : i32
      %mul3A_748 = arith.constant 2 : i32
      %mul3A_749 = arith.muli %sub3A_747, %mul3A_748 : i32
      %add3A_750 = arith.addi %mul3A_2, %mul3A_749 : i32
      %mul3A_751 = arith.constant 128 : i32
      %mul3A_752 = arith.muli %add3A_750, %mul3A_751 : i32
      %dma_wait3A_753 = arith.constant 1 : i32
      %dma_wait3A_754 = arith.constant 0 : i32
      %dma_wait3A_755 = arith.constant 0 : i32
      %dma_wait3A_756 = tpu.memref_slice %arg6[%dma_wait3A_753, %dma_wait3A_754, %dma_wait3A_755] : memref<3x256x128xf32, #tpu.memory_space<vmem>> -> memref<1x256x128xf32, #tpu.memory_space<vmem>>
      %dma_wait3A_757 = tpu.memref_squeeze %dma_wait3A_756 : memref<1x256x128xf32, #tpu.memory_space<vmem>> -> memref<256x128xf32, #tpu.memory_space<vmem>>
      %dma_wait3A_758 = arith.constant 0 : i32
      %dma_wait3A_759 = tpu.memref_slice %arg4[%mul3A_752, %dma_wait3A_758] : memref<3276800x128xf32, #tpu.memory_space<hbm>> -> memref<256x128xf32, #tpu.memory_space<hbm>>
      %dma_wait3A_760 = arith.constant 0 : i32
      %dma_wait3A_761 = tpu.memref_slice %arg4[%mul3A_752, %dma_wait3A_760] : memref<3276800x128xf32, #tpu.memory_space<hbm>> -> memref<256x128xf32, #tpu.memory_space<hbm>>
      %dma_wait3A_762 = arith.constant 0 : i32
      %dma_wait3A_763 = arith.constant 0 : i32
      %dma_wait3A_764 = tpu.memref_slice %arg6[%dma_wait3A_753, %dma_wait3A_762, %dma_wait3A_763] : memref<3x256x128xf32, #tpu.memory_space<vmem>> -> memref<1x256x128xf32, #tpu.memory_space<vmem>>
      %dma_wait3A_765 = tpu.memref_squeeze %dma_wait3A_764 : memref<1x256x128xf32, #tpu.memory_space<vmem>> -> memref<256x128xf32, #tpu.memory_space<vmem>>
      tpu.wait_dma2 semaphore(%arg12 : memref<!tpu.dma_semaphore, #tpu.memory_space<semaphore_mem>>) src(%dma_wait3A_765 : memref<256x128xf32, #tpu.memory_space<vmem>>) dst(%dma_wait3A_761 : memref<256x128xf32, #tpu.memory_space<hbm>>)
      %add3A_766 = arith.constant 1 : i32
      %add3A_767 = arith.addi %add3A_745, %add3A_766 : i32
      %mul3A_768 = arith.constant 2 : i32
      %mul3A_769 = arith.muli %add3A_767, %mul3A_768 : i32
      %add3A_770 = arith.addi %mul3A_2, %mul3A_769 : i32
      %dma_wait3A_771 = arith.constant 1 : i32
      %dma_wait3A_772 = arith.constant 0 : i32
      %dma_wait3A_773 = arith.constant 0 : i32
      %dma_wait3A_774 = tpu.memref_slice %arg5[%dma_wait3A_771, %dma_wait3A_772, %dma_wait3A_773] : memref<3x2x128xi32, #tpu.memory_space<vmem>> -> memref<1x2x128xi32, #tpu.memory_space<vmem>>
      %dma_wait3A_775 = tpu.memref_squeeze %dma_wait3A_774 : memref<1x2x128xi32, #tpu.memory_space<vmem>> -> memref<2x128xi32, #tpu.memory_space<vmem>>
      %dma_wait3A_776 = arith.constant 0 : i32
      %dma_wait3A_777 = tpu.memref_slice %arg3[%add3A_770, %dma_wait3A_776] : memref<25600x128xi32, #tpu.memory_space<hbm>> -> memref<2x128xi32, #tpu.memory_space<hbm>>
      %dma_wait3A_778 = arith.constant 0 : i32
      %dma_wait3A_779 = arith.constant 0 : i32
      %dma_wait3A_780 = tpu.memref_slice %arg5[%dma_wait3A_771, %dma_wait3A_778, %dma_wait3A_779] : memref<3x2x128xi32, #tpu.memory_space<vmem>> -> memref<1x2x128xi32, #tpu.memory_space<vmem>>
      %dma_wait3A_781 = tpu.memref_squeeze %dma_wait3A_780 : memref<1x2x128xi32, #tpu.memory_space<vmem>> -> memref<2x128xi32, #tpu.memory_space<vmem>>
      %dma_wait3A_782 = arith.constant 0 : i32
      %dma_wait3A_783 = tpu.memref_slice %arg3[%add3A_770, %dma_wait3A_782] : memref<25600x128xi32, #tpu.memory_space<hbm>> -> memref<2x128xi32, #tpu.memory_space<hbm>>
      tpu.wait_dma2 semaphore(%arg15 : memref<!tpu.dma_semaphore, #tpu.memory_space<semaphore_mem>>) src(%dma_wait3A_783 : memref<2x128xi32, #tpu.memory_space<hbm>>) dst(%dma_wait3A_781 : memref<2x128xi32, #tpu.memory_space<vmem>>)
      %add3A_784 = arith.constant 1 : i32
      %add3A_785 = arith.addi %add3A_745, %add3A_784 : i32
      %dma_start3A_786 = arith.constant 1 : i32
      %dma_start3A_787 = arith.constant 0 : i32
      %dma_start3A_788 = arith.constant 1 : i32
      %dma_start3A_789 = arith.constant 0 : i32
      %dma_start3A_790 = arith.constant 0 : i32
      %dma_start3A_791 = tpu.memref_slice %arg6[%dma_start3A_788, %dma_start3A_789, %dma_start3A_790] : memref<3x256x128xf32, #tpu.memory_space<vmem>> -> memref<1x256x128xf32, #tpu.memory_space<vmem>>
      %dma_start3A_792 = tpu.memref_squeeze %dma_start3A_791 : memref<1x256x128xf32, #tpu.memory_space<vmem>> -> memref<256x128xf32, #tpu.memory_space<vmem>>
      %dma_start3A_793 = arith.constant 0 : i32
      %dma_start3A_794 = arith.constant 0 : i32
      %dma_start3A_795 = tpu.memref_slice %dma_start3A_792[%dma_start3A_793, %dma_start3A_794] : memref<256x128xf32, #tpu.memory_space<vmem>> -> memref<128x128xf32, #tpu.memory_space<vmem>>
      %dma_start3A_796 = arith.constant 0 : i32
      %dma_start3A_797 = arith.constant 0 : i32
      %dma_start3A_798 = tpu.memref_slice %arg5[%dma_start3A_786, %dma_start3A_796, %dma_start3A_797] : memref<3x2x128xi32, #tpu.memory_space<vmem>> -> memref<1x2x128xi32, #tpu.memory_space<vmem>>
      %dma_start3A_799 = tpu.memref_squeeze %dma_start3A_798 : memref<1x2x128xi32, #tpu.memory_space<vmem>> -> memref<2x128xi32, #tpu.memory_space<vmem>>
      %dma_start3A_800 = arith.constant 0 : i32
      %dma_start3A_801 = tpu.memref_slice %dma_start3A_799[%dma_start3A_787, %dma_start3A_800] : memref<2x128xi32, #tpu.memory_space<vmem>> -> memref<1x128xi32, #tpu.memory_space<vmem>>
      %dma_start3A_802 = tpu.memref_squeeze %dma_start3A_801 : memref<1x128xi32, #tpu.memory_space<vmem>> -> memref<128xi32, #tpu.memory_space<vmem>>
      %dma_start3A_803 = arith.constant 0 : i32
      %dma_start3A_804 = arith.constant 0 : i32
      %dma_start3A_805 = tpu.memref_slice %arg7[%dma_start3A_803, %dma_start3A_804] : memref<83x128xf32, #tpu.memory_space<vmem_shared>> -> memref<83x128xf32, #tpu.memory_space<vmem_shared>>
      tpu.enqueue_indirect_dma source(%dma_start3A_805 : memref<83x128xf32, #tpu.memory_space<vmem_shared>>) target(%dma_start3A_795 : memref<128x128xf32, #tpu.memory_space<vmem>>) offsets(%dma_start3A_802 : memref<128xi32, #tpu.memory_space<vmem>>) semaphore(%arg9 : memref<!tpu.dma_semaphore, #tpu.memory_space<semaphore_mem>>)
      %dma_start3A_806 = arith.constant 1 : i32
      %dma_start3A_807 = arith.constant 1 : i32
      %dma_start3A_808 = arith.constant 1 : i32
      %dma_start3A_809 = arith.constant 0 : i32
      %dma_start3A_810 = arith.constant 0 : i32
      %dma_start3A_811 = tpu.memref_slice %arg6[%dma_start3A_808, %dma_start3A_809, %dma_start3A_810] : memref<3x256x128xf32, #tpu.memory_space<vmem>> -> memref<1x256x128xf32, #tpu.memory_space<vmem>>
      %dma_start3A_812 = tpu.memref_squeeze %dma_start3A_811 : memref<1x256x128xf32, #tpu.memory_space<vmem>> -> memref<256x128xf32, #tpu.memory_space<vmem>>
      %dma_start3A_813 = arith.constant 128 : i32
      %dma_start3A_814 = arith.constant 0 : i32
      %dma_start3A_815 = tpu.memref_slice %dma_start3A_812[%dma_start3A_813, %dma_start3A_814] : memref<256x128xf32, #tpu.memory_space<vmem>> -> memref<128x128xf32, #tpu.memory_space<vmem>>
      %dma_start3A_816 = arith.constant 0 : i32
      %dma_start3A_817 = arith.constant 0 : i32
      %dma_start3A_818 = tpu.memref_slice %arg5[%dma_start3A_806, %dma_start3A_816, %dma_start3A_817] : memref<3x2x128xi32, #tpu.memory_space<vmem>> -> memref<1x2x128xi32, #tpu.memory_space<vmem>>
      %dma_start3A_819 = tpu.memref_squeeze %dma_start3A_818 : memref<1x2x128xi32, #tpu.memory_space<vmem>> -> memref<2x128xi32, #tpu.memory_space<vmem>>
      %dma_start3A_820 = arith.constant 0 : i32
      %dma_start3A_821 = tpu.memref_slice %dma_start3A_819[%dma_start3A_807, %dma_start3A_820] : memref<2x128xi32, #tpu.memory_space<vmem>> -> memref<1x128xi32, #tpu.memory_space<vmem>>
      %dma_start3A_822 = tpu.memref_squeeze %dma_start3A_821 : memref<1x128xi32, #tpu.memory_space<vmem>> -> memref<128xi32, #tpu.memory_space<vmem>>
      %dma_start3A_823 = arith.constant 0 : i32
      %dma_start3A_824 = arith.constant 0 : i32
      %dma_start3A_825 = tpu.memref_slice %arg7[%dma_start3A_823, %dma_start3A_824] : memref<83x128xf32, #tpu.memory_space<vmem_shared>> -> memref<83x128xf32, #tpu.memory_space<vmem_shared>>
      tpu.enqueue_indirect_dma source(%dma_start3A_825 : memref<83x128xf32, #tpu.memory_space<vmem_shared>>) target(%dma_start3A_815 : memref<128x128xf32, #tpu.memory_space<vmem>>) offsets(%dma_start3A_822 : memref<128xi32, #tpu.memory_space<vmem>>) semaphore(%arg9 : memref<!tpu.dma_semaphore, #tpu.memory_space<semaphore_mem>>)
      %add3A_826 = arith.constant 2 : i32
      %add3A_827 = arith.addi %add3A_745, %add3A_826 : i32
      %mul3A_828 = arith.constant 2 : i32
      %mul3A_829 = arith.muli %add3A_827, %mul3A_828 : i32
      %add3A_830 = arith.addi %mul3A_2, %mul3A_829 : i32
      %dma_start3A_831 = arith.constant 2 : i32
      %dma_start3A_832 = arith.constant 0 : i32
      %dma_start3A_833 = arith.constant 0 : i32
      %dma_start3A_834 = tpu.memref_slice %arg5[%dma_start3A_831, %dma_start3A_832, %dma_start3A_833] : memref<3x2x128xi32, #tpu.memory_space<vmem>> -> memref<1x2x128xi32, #tpu.memory_space<vmem>>
      %dma_start3A_835 = tpu.memref_squeeze %dma_start3A_834 : memref<1x2x128xi32, #tpu.memory_space<vmem>> -> memref<2x128xi32, #tpu.memory_space<vmem>>
      %dma_start3A_836 = arith.constant 0 : i32
      %dma_start3A_837 = tpu.memref_slice %arg3[%add3A_830, %dma_start3A_836] : memref<25600x128xi32, #tpu.memory_space<hbm>> -> memref<2x128xi32, #tpu.memory_space<hbm>>
      %dma_start3A_838 = arith.constant 0 : i32
      %dma_start3A_839 = arith.constant 0 : i32
      %dma_start3A_840 = tpu.memref_slice %arg5[%dma_start3A_831, %dma_start3A_838, %dma_start3A_839] : memref<3x2x128xi32, #tpu.memory_space<vmem>> -> memref<1x2x128xi32, #tpu.memory_space<vmem>>
      %dma_start3A_841 = tpu.memref_squeeze %dma_start3A_840 : memref<1x2x128xi32, #tpu.memory_space<vmem>> -> memref<2x128xi32, #tpu.memory_space<vmem>>
      %dma_start3A_842 = arith.constant 0 : i32
      %dma_start3A_843 = tpu.memref_slice %arg3[%add3A_830, %dma_start3A_842] : memref<25600x128xi32, #tpu.memory_space<hbm>> -> memref<2x128xi32, #tpu.memory_space<hbm>>
      tpu.enqueue_dma source(%dma_start3A_843 : memref<2x128xi32, #tpu.memory_space<hbm>>) target(%dma_start3A_841 : memref<2x128xi32, #tpu.memory_space<vmem>>) target_semaphore(%arg16 : memref<!tpu.dma_semaphore, #tpu.memory_space<semaphore_mem>>)
      %dma_wait3A_844 = arith.constant 0 : i32
      %dma_wait3A_845 = arith.constant 0 : i32
      %dma_wait3A_846 = arith.constant 0 : i32
      %dma_wait3A_847 = arith.constant 0 : i32
      %dma_wait3A_848 = arith.constant 0 : i32
      %dma_wait3A_849 = tpu.memref_slice %arg6[%dma_wait3A_846, %dma_wait3A_847, %dma_wait3A_848] : memref<3x256x128xf32, #tpu.memory_space<vmem>> -> memref<1x256x128xf32, #tpu.memory_space<vmem>>
      %dma_wait3A_850 = tpu.memref_squeeze %dma_wait3A_849 : memref<1x256x128xf32, #tpu.memory_space<vmem>> -> memref<256x128xf32, #tpu.memory_space<vmem>>
      %dma_wait3A_851 = arith.constant 0 : i32
      %dma_wait3A_852 = arith.constant 0 : i32
      %dma_wait3A_853 = tpu.memref_slice %dma_wait3A_850[%dma_wait3A_851, %dma_wait3A_852] : memref<256x128xf32, #tpu.memory_space<vmem>> -> memref<128x128xf32, #tpu.memory_space<vmem>>
      %dma_wait3A_854 = arith.constant 0 : i32
      %dma_wait3A_855 = arith.constant 0 : i32
      %dma_wait3A_856 = tpu.memref_slice %arg5[%dma_wait3A_844, %dma_wait3A_854, %dma_wait3A_855] : memref<3x2x128xi32, #tpu.memory_space<vmem>> -> memref<1x2x128xi32, #tpu.memory_space<vmem>>
      %dma_wait3A_857 = tpu.memref_squeeze %dma_wait3A_856 : memref<1x2x128xi32, #tpu.memory_space<vmem>> -> memref<2x128xi32, #tpu.memory_space<vmem>>
      %dma_wait3A_858 = arith.constant 0 : i32
      %dma_wait3A_859 = tpu.memref_slice %dma_wait3A_857[%dma_wait3A_845, %dma_wait3A_858] : memref<2x128xi32, #tpu.memory_space<vmem>> -> memref<1x128xi32, #tpu.memory_space<vmem>>
      %dma_wait3A_860 = tpu.memref_squeeze %dma_wait3A_859 : memref<1x128xi32, #tpu.memory_space<vmem>> -> memref<128xi32, #tpu.memory_space<vmem>>
      %dma_wait3A_861 = arith.constant 0 : i32
      %dma_wait3A_862 = arith.constant 0 : i32
      %dma_wait3A_863 = tpu.memref_slice %arg7[%dma_wait3A_861, %dma_wait3A_862] : memref<83x128xf32, #tpu.memory_space<vmem_shared>> -> memref<83x128xf32, #tpu.memory_space<vmem_shared>>
      tpu.wait_indirect_dma semaphore(%arg8 : memref<!tpu.dma_semaphore, #tpu.memory_space<semaphore_mem>>) src(%dma_wait3A_863 : memref<83x128xf32, #tpu.memory_space<vmem_shared>>) dst(%dma_wait3A_853 : memref<128x128xf32, #tpu.memory_space<vmem>>)
      %dma_wait3A_864 = arith.constant 0 : i32
      %dma_wait3A_865 = arith.constant 1 : i32
      %dma_wait3A_866 = arith.constant 0 : i32
      %dma_wait3A_867 = arith.constant 0 : i32
      %dma_wait3A_868 = arith.constant 0 : i32
      %dma_wait3A_869 = tpu.memref_slice %arg6[%dma_wait3A_866, %dma_wait3A_867, %dma_wait3A_868] : memref<3x256x128xf32, #tpu.memory_space<vmem>> -> memref<1x256x128xf32, #tpu.memory_space<vmem>>
      %dma_wait3A_870 = tpu.memref_squeeze %dma_wait3A_869 : memref<1x256x128xf32, #tpu.memory_space<vmem>> -> memref<256x128xf32, #tpu.memory_space<vmem>>
      %dma_wait3A_871 = arith.constant 128 : i32
      %dma_wait3A_872 = arith.constant 0 : i32
      %dma_wait3A_873 = tpu.memref_slice %dma_wait3A_870[%dma_wait3A_871, %dma_wait3A_872] : memref<256x128xf32, #tpu.memory_space<vmem>> -> memref<128x128xf32, #tpu.memory_space<vmem>>
      %dma_wait3A_874 = arith.constant 0 : i32
      %dma_wait3A_875 = arith.constant 0 : i32
      %dma_wait3A_876 = tpu.memref_slice %arg5[%dma_wait3A_864, %dma_wait3A_874, %dma_wait3A_875] : memref<3x2x128xi32, #tpu.memory_space<vmem>> -> memref<1x2x128xi32, #tpu.memory_space<vmem>>
      %dma_wait3A_877 = tpu.memref_squeeze %dma_wait3A_876 : memref<1x2x128xi32, #tpu.memory_space<vmem>> -> memref<2x128xi32, #tpu.memory_space<vmem>>
      %dma_wait3A_878 = arith.constant 0 : i32
      %dma_wait3A_879 = tpu.memref_slice %dma_wait3A_877[%dma_wait3A_865, %dma_wait3A_878] : memref<2x128xi32, #tpu.memory_space<vmem>> -> memref<1x128xi32, #tpu.memory_space<vmem>>
      %dma_wait3A_880 = tpu.memref_squeeze %dma_wait3A_879 : memref<1x128xi32, #tpu.memory_space<vmem>> -> memref<128xi32, #tpu.memory_space<vmem>>
      %dma_wait3A_881 = arith.constant 0 : i32
      %dma_wait3A_882 = arith.constant 0 : i32
      %dma_wait3A_883 = tpu.memref_slice %arg7[%dma_wait3A_881, %dma_wait3A_882] : memref<83x128xf32, #tpu.memory_space<vmem_shared>> -> memref<83x128xf32, #tpu.memory_space<vmem_shared>>
      tpu.wait_indirect_dma semaphore(%arg8 : memref<!tpu.dma_semaphore, #tpu.memory_space<semaphore_mem>>) src(%dma_wait3A_883 : memref<83x128xf32, #tpu.memory_space<vmem_shared>>) dst(%dma_wait3A_873 : memref<128x128xf32, #tpu.memory_space<vmem>>)
      %mul3A_884 = arith.constant 2 : i32
      %mul3A_885 = arith.muli %add3A_745, %mul3A_884 : i32
      %add3A_886 = arith.addi %mul3A_2, %mul3A_885 : i32
      %mul3A_887 = arith.constant 128 : i32
      %mul3A_888 = arith.muli %add3A_886, %mul3A_887 : i32
      %dma_start3A_889 = arith.constant 0 : i32
      %dma_start3A_890 = arith.constant 0 : i32
      %dma_start3A_891 = arith.constant 0 : i32
      %dma_start3A_892 = tpu.memref_slice %arg6[%dma_start3A_889, %dma_start3A_890, %dma_start3A_891] : memref<3x256x128xf32, #tpu.memory_space<vmem>> -> memref<1x256x128xf32, #tpu.memory_space<vmem>>
      %dma_start3A_893 = tpu.memref_squeeze %dma_start3A_892 : memref<1x256x128xf32, #tpu.memory_space<vmem>> -> memref<256x128xf32, #tpu.memory_space<vmem>>
      %dma_start3A_894 = arith.constant 0 : i32
      %dma_start3A_895 = tpu.memref_slice %arg4[%mul3A_888, %dma_start3A_894] : memref<3276800x128xf32, #tpu.memory_space<hbm>> -> memref<256x128xf32, #tpu.memory_space<hbm>>
      %dma_start3A_896 = arith.constant 0 : i32
      %dma_start3A_897 = tpu.memref_slice %arg4[%mul3A_888, %dma_start3A_896] : memref<3276800x128xf32, #tpu.memory_space<hbm>> -> memref<256x128xf32, #tpu.memory_space<hbm>>
      %dma_start3A_898 = arith.constant 0 : i32
      %dma_start3A_899 = arith.constant 0 : i32
      %dma_start3A_900 = tpu.memref_slice %arg6[%dma_start3A_889, %dma_start3A_898, %dma_start3A_899] : memref<3x256x128xf32, #tpu.memory_space<vmem>> -> memref<1x256x128xf32, #tpu.memory_space<vmem>>
      %dma_start3A_901 = tpu.memref_squeeze %dma_start3A_900 : memref<1x256x128xf32, #tpu.memory_space<vmem>> -> memref<256x128xf32, #tpu.memory_space<vmem>>
      tpu.enqueue_dma source(%dma_start3A_901 : memref<256x128xf32, #tpu.memory_space<vmem>>) target(%dma_start3A_897 : memref<256x128xf32, #tpu.memory_space<hbm>>) target_semaphore(%arg11 : memref<!tpu.dma_semaphore, #tpu.memory_space<semaphore_mem>>)
      %add3A_902 = arith.constant 2 : i32
      %add3A_903 = arith.addi %add3A_588, %add3A_902 : i32
      %sub3A_904 = arith.constant 2 : i32
      %sub3A_905 = arith.subi %add3A_903, %sub3A_904 : i32
      %mul3A_906 = arith.constant 2 : i32
      %mul3A_907 = arith.muli %sub3A_905, %mul3A_906 : i32
      %add3A_908 = arith.addi %mul3A_2, %mul3A_907 : i32
      %mul3A_909 = arith.constant 128 : i32
      %mul3A_910 = arith.muli %add3A_908, %mul3A_909 : i32
      %dma_wait3A_911 = arith.constant 2 : i32
      %dma_wait3A_912 = arith.constant 0 : i32
      %dma_wait3A_913 = arith.constant 0 : i32
      %dma_wait3A_914 = tpu.memref_slice %arg6[%dma_wait3A_911, %dma_wait3A_912, %dma_wait3A_913] : memref<3x256x128xf32, #tpu.memory_space<vmem>> -> memref<1x256x128xf32, #tpu.memory_space<vmem>>
      %dma_wait3A_915 = tpu.memref_squeeze %dma_wait3A_914 : memref<1x256x128xf32, #tpu.memory_space<vmem>> -> memref<256x128xf32, #tpu.memory_space<vmem>>
      %dma_wait3A_916 = arith.constant 0 : i32
      %dma_wait3A_917 = tpu.memref_slice %arg4[%mul3A_910, %dma_wait3A_916] : memref<3276800x128xf32, #tpu.memory_space<hbm>> -> memref<256x128xf32, #tpu.memory_space<hbm>>
      %dma_wait3A_918 = arith.constant 0 : i32
      %dma_wait3A_919 = tpu.memref_slice %arg4[%mul3A_910, %dma_wait3A_918] : memref<3276800x128xf32, #tpu.memory_space<hbm>> -> memref<256x128xf32, #tpu.memory_space<hbm>>
      %dma_wait3A_920 = arith.constant 0 : i32
      %dma_wait3A_921 = arith.constant 0 : i32
      %dma_wait3A_922 = tpu.memref_slice %arg6[%dma_wait3A_911, %dma_wait3A_920, %dma_wait3A_921] : memref<3x256x128xf32, #tpu.memory_space<vmem>> -> memref<1x256x128xf32, #tpu.memory_space<vmem>>
      %dma_wait3A_923 = tpu.memref_squeeze %dma_wait3A_922 : memref<1x256x128xf32, #tpu.memory_space<vmem>> -> memref<256x128xf32, #tpu.memory_space<vmem>>
      tpu.wait_dma2 semaphore(%arg13 : memref<!tpu.dma_semaphore, #tpu.memory_space<semaphore_mem>>) src(%dma_wait3A_923 : memref<256x128xf32, #tpu.memory_space<vmem>>) dst(%dma_wait3A_919 : memref<256x128xf32, #tpu.memory_space<hbm>>)
      %add3A_924 = arith.constant 1 : i32
      %add3A_925 = arith.addi %add3A_903, %add3A_924 : i32
      %mul3A_926 = arith.constant 2 : i32
      %mul3A_927 = arith.muli %add3A_925, %mul3A_926 : i32
      %add3A_928 = arith.addi %mul3A_2, %mul3A_927 : i32
      %dma_wait3A_929 = arith.constant 2 : i32
      %dma_wait3A_930 = arith.constant 0 : i32
      %dma_wait3A_931 = arith.constant 0 : i32
      %dma_wait3A_932 = tpu.memref_slice %arg5[%dma_wait3A_929, %dma_wait3A_930, %dma_wait3A_931] : memref<3x2x128xi32, #tpu.memory_space<vmem>> -> memref<1x2x128xi32, #tpu.memory_space<vmem>>
      %dma_wait3A_933 = tpu.memref_squeeze %dma_wait3A_932 : memref<1x2x128xi32, #tpu.memory_space<vmem>> -> memref<2x128xi32, #tpu.memory_space<vmem>>
      %dma_wait3A_934 = arith.constant 0 : i32
      %dma_wait3A_935 = tpu.memref_slice %arg3[%add3A_928, %dma_wait3A_934] : memref<25600x128xi32, #tpu.memory_space<hbm>> -> memref<2x128xi32, #tpu.memory_space<hbm>>
      %dma_wait3A_936 = arith.constant 0 : i32
      %dma_wait3A_937 = arith.constant 0 : i32
      %dma_wait3A_938 = tpu.memref_slice %arg5[%dma_wait3A_929, %dma_wait3A_936, %dma_wait3A_937] : memref<3x2x128xi32, #tpu.memory_space<vmem>> -> memref<1x2x128xi32, #tpu.memory_space<vmem>>
      %dma_wait3A_939 = tpu.memref_squeeze %dma_wait3A_938 : memref<1x2x128xi32, #tpu.memory_space<vmem>> -> memref<2x128xi32, #tpu.memory_space<vmem>>
      %dma_wait3A_940 = arith.constant 0 : i32
      %dma_wait3A_941 = tpu.memref_slice %arg3[%add3A_928, %dma_wait3A_940] : memref<25600x128xi32, #tpu.memory_space<hbm>> -> memref<2x128xi32, #tpu.memory_space<hbm>>
      tpu.wait_dma2 semaphore(%arg16 : memref<!tpu.dma_semaphore, #tpu.memory_space<semaphore_mem>>) src(%dma_wait3A_941 : memref<2x128xi32, #tpu.memory_space<hbm>>) dst(%dma_wait3A_939 : memref<2x128xi32, #tpu.memory_space<vmem>>)
      %add3A_942 = arith.constant 1 : i32
      %add3A_943 = arith.addi %add3A_903, %add3A_942 : i32
      %dma_start3A_944 = arith.constant 2 : i32
      %dma_start3A_945 = arith.constant 0 : i32
      %dma_start3A_946 = arith.constant 2 : i32
      %dma_start3A_947 = arith.constant 0 : i32
      %dma_start3A_948 = arith.constant 0 : i32
      %dma_start3A_949 = tpu.memref_slice %arg6[%dma_start3A_946, %dma_start3A_947, %dma_start3A_948] : memref<3x256x128xf32, #tpu.memory_space<vmem>> -> memref<1x256x128xf32, #tpu.memory_space<vmem>>
      %dma_start3A_950 = tpu.memref_squeeze %dma_start3A_949 : memref<1x256x128xf32, #tpu.memory_space<vmem>> -> memref<256x128xf32, #tpu.memory_space<vmem>>
      %dma_start3A_951 = arith.constant 0 : i32
      %dma_start3A_952 = arith.constant 0 : i32
      %dma_start3A_953 = tpu.memref_slice %dma_start3A_950[%dma_start3A_951, %dma_start3A_952] : memref<256x128xf32, #tpu.memory_space<vmem>> -> memref<128x128xf32, #tpu.memory_space<vmem>>
      %dma_start3A_954 = arith.constant 0 : i32
      %dma_start3A_955 = arith.constant 0 : i32
      %dma_start3A_956 = tpu.memref_slice %arg5[%dma_start3A_944, %dma_start3A_954, %dma_start3A_955] : memref<3x2x128xi32, #tpu.memory_space<vmem>> -> memref<1x2x128xi32, #tpu.memory_space<vmem>>
      %dma_start3A_957 = tpu.memref_squeeze %dma_start3A_956 : memref<1x2x128xi32, #tpu.memory_space<vmem>> -> memref<2x128xi32, #tpu.memory_space<vmem>>
      %dma_start3A_958 = arith.constant 0 : i32
      %dma_start3A_959 = tpu.memref_slice %dma_start3A_957[%dma_start3A_945, %dma_start3A_958] : memref<2x128xi32, #tpu.memory_space<vmem>> -> memref<1x128xi32, #tpu.memory_space<vmem>>
      %dma_start3A_960 = tpu.memref_squeeze %dma_start3A_959 : memref<1x128xi32, #tpu.memory_space<vmem>> -> memref<128xi32, #tpu.memory_space<vmem>>
      %dma_start3A_961 = arith.constant 0 : i32
      %dma_start3A_962 = arith.constant 0 : i32
      %dma_start3A_963 = tpu.memref_slice %arg7[%dma_start3A_961, %dma_start3A_962] : memref<83x128xf32, #tpu.memory_space<vmem_shared>> -> memref<83x128xf32, #tpu.memory_space<vmem_shared>>
      tpu.enqueue_indirect_dma source(%dma_start3A_963 : memref<83x128xf32, #tpu.memory_space<vmem_shared>>) target(%dma_start3A_953 : memref<128x128xf32, #tpu.memory_space<vmem>>) offsets(%dma_start3A_960 : memref<128xi32, #tpu.memory_space<vmem>>) semaphore(%arg10 : memref<!tpu.dma_semaphore, #tpu.memory_space<semaphore_mem>>)
      %dma_start3A_964 = arith.constant 2 : i32
      %dma_start3A_965 = arith.constant 1 : i32
      %dma_start3A_966 = arith.constant 2 : i32
      %dma_start3A_967 = arith.constant 0 : i32
      %dma_start3A_968 = arith.constant 0 : i32
      %dma_start3A_969 = tpu.memref_slice %arg6[%dma_start3A_966, %dma_start3A_967, %dma_start3A_968] : memref<3x256x128xf32, #tpu.memory_space<vmem>> -> memref<1x256x128xf32, #tpu.memory_space<vmem>>
      %dma_start3A_970 = tpu.memref_squeeze %dma_start3A_969 : memref<1x256x128xf32, #tpu.memory_space<vmem>> -> memref<256x128xf32, #tpu.memory_space<vmem>>
      %dma_start3A_971 = arith.constant 128 : i32
      %dma_start3A_972 = arith.constant 0 : i32
      %dma_start3A_973 = tpu.memref_slice %dma_start3A_970[%dma_start3A_971, %dma_start3A_972] : memref<256x128xf32, #tpu.memory_space<vmem>> -> memref<128x128xf32, #tpu.memory_space<vmem>>
      %dma_start3A_974 = arith.constant 0 : i32
      %dma_start3A_975 = arith.constant 0 : i32
      %dma_start3A_976 = tpu.memref_slice %arg5[%dma_start3A_964, %dma_start3A_974, %dma_start3A_975] : memref<3x2x128xi32, #tpu.memory_space<vmem>> -> memref<1x2x128xi32, #tpu.memory_space<vmem>>
      %dma_start3A_977 = tpu.memref_squeeze %dma_start3A_976 : memref<1x2x128xi32, #tpu.memory_space<vmem>> -> memref<2x128xi32, #tpu.memory_space<vmem>>
      %dma_start3A_978 = arith.constant 0 : i32
      %dma_start3A_979 = tpu.memref_slice %dma_start3A_977[%dma_start3A_965, %dma_start3A_978] : memref<2x128xi32, #tpu.memory_space<vmem>> -> memref<1x128xi32, #tpu.memory_space<vmem>>
      %dma_start3A_980 = tpu.memref_squeeze %dma_start3A_979 : memref<1x128xi32, #tpu.memory_space<vmem>> -> memref<128xi32, #tpu.memory_space<vmem>>
      %dma_start3A_981 = arith.constant 0 : i32
      %dma_start3A_982 = arith.constant 0 : i32
      %dma_start3A_983 = tpu.memref_slice %arg7[%dma_start3A_981, %dma_start3A_982] : memref<83x128xf32, #tpu.memory_space<vmem_shared>> -> memref<83x128xf32, #tpu.memory_space<vmem_shared>>
      tpu.enqueue_indirect_dma source(%dma_start3A_983 : memref<83x128xf32, #tpu.memory_space<vmem_shared>>) target(%dma_start3A_973 : memref<128x128xf32, #tpu.memory_space<vmem>>) offsets(%dma_start3A_980 : memref<128xi32, #tpu.memory_space<vmem>>) semaphore(%arg10 : memref<!tpu.dma_semaphore, #tpu.memory_space<semaphore_mem>>)
      %add3A_984 = arith.constant 2 : i32
      %add3A_985 = arith.addi %add3A_903, %add3A_984 : i32
      %mul3A_986 = arith.constant 2 : i32
      %mul3A_987 = arith.muli %add3A_985, %mul3A_986 : i32
      %add3A_988 = arith.addi %mul3A_2, %mul3A_987 : i32
      %dma_start3A_989 = arith.constant 0 : i32
      %dma_start3A_990 = arith.constant 0 : i32
      %dma_start3A_991 = arith.constant 0 : i32
      %dma_start3A_992 = tpu.memref_slice %arg5[%dma_start3A_989, %dma_start3A_990, %dma_start3A_991] : memref<3x2x128xi32, #tpu.memory_space<vmem>> -> memref<1x2x128xi32, #tpu.memory_space<vmem>>
      %dma_start3A_993 = tpu.memref_squeeze %dma_start3A_992 : memref<1x2x128xi32, #tpu.memory_space<vmem>> -> memref<2x128xi32, #tpu.memory_space<vmem>>
      %dma_start3A_994 = arith.constant 0 : i32
      %dma_start3A_995 = tpu.memref_slice %arg3[%add3A_988, %dma_start3A_994] : memref<25600x128xi32, #tpu.memory_space<hbm>> -> memref<2x128xi32, #tpu.memory_space<hbm>>
      %dma_start3A_996 = arith.constant 0 : i32
      %dma_start3A_997 = arith.constant 0 : i32
      %dma_start3A_998 = tpu.memref_slice %arg5[%dma_start3A_989, %dma_start3A_996, %dma_start3A_997] : memref<3x2x128xi32, #tpu.memory_space<vmem>> -> memref<1x2x128xi32, #tpu.memory_space<vmem>>
      %dma_start3A_999 = tpu.memref_squeeze %dma_start3A_998 : memref<1x2x128xi32, #tpu.memory_space<vmem>> -> memref<2x128xi32, #tpu.memory_space<vmem>>
      %dma_start3A_1000 = arith.constant 0 : i32
      %dma_start3A_1001 = tpu.memref_slice %arg3[%add3A_988, %dma_start3A_1000] : memref<25600x128xi32, #tpu.memory_space<hbm>> -> memref<2x128xi32, #tpu.memory_space<hbm>>
      tpu.enqueue_dma source(%dma_start3A_1001 : memref<2x128xi32, #tpu.memory_space<hbm>>) target(%dma_start3A_999 : memref<2x128xi32, #tpu.memory_space<vmem>>) target_semaphore(%arg14 : memref<!tpu.dma_semaphore, #tpu.memory_space<semaphore_mem>>)
      %dma_wait3A_1002 = arith.constant 1 : i32
      %dma_wait3A_1003 = arith.constant 0 : i32
      %dma_wait3A_1004 = arith.constant 1 : i32
      %dma_wait3A_1005 = arith.constant 0 : i32
      %dma_wait3A_1006 = arith.constant 0 : i32
      %dma_wait3A_1007 = tpu.memref_slice %arg6[%dma_wait3A_1004, %dma_wait3A_1005, %dma_wait3A_1006] : memref<3x256x128xf32, #tpu.memory_space<vmem>> -> memref<1x256x128xf32, #tpu.memory_space<vmem>>
      %dma_wait3A_1008 = tpu.memref_squeeze %dma_wait3A_1007 : memref<1x256x128xf32, #tpu.memory_space<vmem>> -> memref<256x128xf32, #tpu.memory_space<vmem>>
      %dma_wait3A_1009 = arith.constant 0 : i32
      %dma_wait3A_1010 = arith.constant 0 : i32
      %dma_wait3A_1011 = tpu.memref_slice %dma_wait3A_1008[%dma_wait3A_1009, %dma_wait3A_1010] : memref<256x128xf32, #tpu.memory_space<vmem>> -> memref<128x128xf32, #tpu.memory_space<vmem>>
      %dma_wait3A_1012 = arith.constant 0 : i32
      %dma_wait3A_1013 = arith.constant 0 : i32
      %dma_wait3A_1014 = tpu.memref_slice %arg5[%dma_wait3A_1002, %dma_wait3A_1012, %dma_wait3A_1013] : memref<3x2x128xi32, #tpu.memory_space<vmem>> -> memref<1x2x128xi32, #tpu.memory_space<vmem>>
      %dma_wait3A_1015 = tpu.memref_squeeze %dma_wait3A_1014 : memref<1x2x128xi32, #tpu.memory_space<vmem>> -> memref<2x128xi32, #tpu.memory_space<vmem>>
      %dma_wait3A_1016 = arith.constant 0 : i32
      %dma_wait3A_1017 = tpu.memref_slice %dma_wait3A_1015[%dma_wait3A_1003, %dma_wait3A_1016] : memref<2x128xi32, #tpu.memory_space<vmem>> -> memref<1x128xi32, #tpu.memory_space<vmem>>
      %dma_wait3A_1018 = tpu.memref_squeeze %dma_wait3A_1017 : memref<1x128xi32, #tpu.memory_space<vmem>> -> memref<128xi32, #tpu.memory_space<vmem>>
      %dma_wait3A_1019 = arith.constant 0 : i32
      %dma_wait3A_1020 = arith.constant 0 : i32
      %dma_wait3A_1021 = tpu.memref_slice %arg7[%dma_wait3A_1019, %dma_wait3A_1020] : memref<83x128xf32, #tpu.memory_space<vmem_shared>> -> memref<83x128xf32, #tpu.memory_space<vmem_shared>>
      tpu.wait_indirect_dma semaphore(%arg9 : memref<!tpu.dma_semaphore, #tpu.memory_space<semaphore_mem>>) src(%dma_wait3A_1021 : memref<83x128xf32, #tpu.memory_space<vmem_shared>>) dst(%dma_wait3A_1011 : memref<128x128xf32, #tpu.memory_space<vmem>>)
      %dma_wait3A_1022 = arith.constant 1 : i32
      %dma_wait3A_1023 = arith.constant 1 : i32
      %dma_wait3A_1024 = arith.constant 1 : i32
      %dma_wait3A_1025 = arith.constant 0 : i32
      %dma_wait3A_1026 = arith.constant 0 : i32
      %dma_wait3A_1027 = tpu.memref_slice %arg6[%dma_wait3A_1024, %dma_wait3A_1025, %dma_wait3A_1026] : memref<3x256x128xf32, #tpu.memory_space<vmem>> -> memref<1x256x128xf32, #tpu.memory_space<vmem>>
      %dma_wait3A_1028 = tpu.memref_squeeze %dma_wait3A_1027 : memref<1x256x128xf32, #tpu.memory_space<vmem>> -> memref<256x128xf32, #tpu.memory_space<vmem>>
      %dma_wait3A_1029 = arith.constant 128 : i32
      %dma_wait3A_1030 = arith.constant 0 : i32
      %dma_wait3A_1031 = tpu.memref_slice %dma_wait3A_1028[%dma_wait3A_1029, %dma_wait3A_1030] : memref<256x128xf32, #tpu.memory_space<vmem>> -> memref<128x128xf32, #tpu.memory_space<vmem>>
      %dma_wait3A_1032 = arith.constant 0 : i32
      %dma_wait3A_1033 = arith.constant 0 : i32
      %dma_wait3A_1034 = tpu.memref_slice %arg5[%dma_wait3A_1022, %dma_wait3A_1032, %dma_wait3A_1033] : memref<3x2x128xi32, #tpu.memory_space<vmem>> -> memref<1x2x128xi32, #tpu.memory_space<vmem>>
      %dma_wait3A_1035 = tpu.memref_squeeze %dma_wait3A_1034 : memref<1x2x128xi32, #tpu.memory_space<vmem>> -> memref<2x128xi32, #tpu.memory_space<vmem>>
      %dma_wait3A_1036 = arith.constant 0 : i32
      %dma_wait3A_1037 = tpu.memref_slice %dma_wait3A_1035[%dma_wait3A_1023, %dma_wait3A_1036] : memref<2x128xi32, #tpu.memory_space<vmem>> -> memref<1x128xi32, #tpu.memory_space<vmem>>
      %dma_wait3A_1038 = tpu.memref_squeeze %dma_wait3A_1037 : memref<1x128xi32, #tpu.memory_space<vmem>> -> memref<128xi32, #tpu.memory_space<vmem>>
      %dma_wait3A_1039 = arith.constant 0 : i32
      %dma_wait3A_1040 = arith.constant 0 : i32
      %dma_wait3A_1041 = tpu.memref_slice %arg7[%dma_wait3A_1039, %dma_wait3A_1040] : memref<83x128xf32, #tpu.memory_space<vmem_shared>> -> memref<83x128xf32, #tpu.memory_space<vmem_shared>>
      tpu.wait_indirect_dma semaphore(%arg9 : memref<!tpu.dma_semaphore, #tpu.memory_space<semaphore_mem>>) src(%dma_wait3A_1041 : memref<83x128xf32, #tpu.memory_space<vmem_shared>>) dst(%dma_wait3A_1031 : memref<128x128xf32, #tpu.memory_space<vmem>>)
      %mul3A_1042 = arith.constant 2 : i32
      %mul3A_1043 = arith.muli %add3A_903, %mul3A_1042 : i32
      %add3A_1044 = arith.addi %mul3A_2, %mul3A_1043 : i32
      %mul3A_1045 = arith.constant 128 : i32
      %mul3A_1046 = arith.muli %add3A_1044, %mul3A_1045 : i32
      %dma_start3A_1047 = arith.constant 1 : i32
      %dma_start3A_1048 = arith.constant 0 : i32
      %dma_start3A_1049 = arith.constant 0 : i32
      %dma_start3A_1050 = tpu.memref_slice %arg6[%dma_start3A_1047, %dma_start3A_1048, %dma_start3A_1049] : memref<3x256x128xf32, #tpu.memory_space<vmem>> -> memref<1x256x128xf32, #tpu.memory_space<vmem>>
      %dma_start3A_1051 = tpu.memref_squeeze %dma_start3A_1050 : memref<1x256x128xf32, #tpu.memory_space<vmem>> -> memref<256x128xf32, #tpu.memory_space<vmem>>
      %dma_start3A_1052 = arith.constant 0 : i32
      %dma_start3A_1053 = tpu.memref_slice %arg4[%mul3A_1046, %dma_start3A_1052] : memref<3276800x128xf32, #tpu.memory_space<hbm>> -> memref<256x128xf32, #tpu.memory_space<hbm>>
      %dma_start3A_1054 = arith.constant 0 : i32
      %dma_start3A_1055 = tpu.memref_slice %arg4[%mul3A_1046, %dma_start3A_1054] : memref<3276800x128xf32, #tpu.memory_space<hbm>> -> memref<256x128xf32, #tpu.memory_space<hbm>>
      %dma_start3A_1056 = arith.constant 0 : i32
      %dma_start3A_1057 = arith.constant 0 : i32
      %dma_start3A_1058 = tpu.memref_slice %arg6[%dma_start3A_1047, %dma_start3A_1056, %dma_start3A_1057] : memref<3x256x128xf32, #tpu.memory_space<vmem>> -> memref<1x256x128xf32, #tpu.memory_space<vmem>>
      %dma_start3A_1059 = tpu.memref_squeeze %dma_start3A_1058 : memref<1x256x128xf32, #tpu.memory_space<vmem>> -> memref<256x128xf32, #tpu.memory_space<vmem>>
      tpu.enqueue_dma source(%dma_start3A_1059 : memref<256x128xf32, #tpu.memory_space<vmem>>) target(%dma_start3A_1055 : memref<256x128xf32, #tpu.memory_space<hbm>>) target_semaphore(%arg12 : memref<!tpu.dma_semaphore, #tpu.memory_space<semaphore_mem>>)
    }
    %scan3A_346 = arith.constant 132 : i32
    %add3A_347 = arith.constant 792 : i32
    %add3A_348 = arith.addi %mul3A_2, %add3A_347 : i32
    %mul3A_349 = arith.constant 128 : i32
    %mul3A_350 = arith.muli %add3A_348, %mul3A_349 : i32
    %dma_wait3A_351 = arith.constant 0 : i32
    %dma_wait3A_352 = arith.constant 0 : i32
    %dma_wait3A_353 = arith.constant 0 : i32
    %dma_wait3A_354 = tpu.memref_slice %arg6[%dma_wait3A_351, %dma_wait3A_352, %dma_wait3A_353] : memref<3x256x128xf32, #tpu.memory_space<vmem>> -> memref<1x256x128xf32, #tpu.memory_space<vmem>>
    %dma_wait3A_355 = tpu.memref_squeeze %dma_wait3A_354 : memref<1x256x128xf32, #tpu.memory_space<vmem>> -> memref<256x128xf32, #tpu.memory_space<vmem>>
    %dma_wait3A_356 = arith.constant 0 : i32
    %dma_wait3A_357 = tpu.memref_slice %arg4[%mul3A_350, %dma_wait3A_356] : memref<3276800x128xf32, #tpu.memory_space<hbm>> -> memref<256x128xf32, #tpu.memory_space<hbm>>
    %dma_wait3A_358 = arith.constant 0 : i32
    %dma_wait3A_359 = tpu.memref_slice %arg4[%mul3A_350, %dma_wait3A_358] : memref<3276800x128xf32, #tpu.memory_space<hbm>> -> memref<256x128xf32, #tpu.memory_space<hbm>>
    %dma_wait3A_360 = arith.constant 0 : i32
    %dma_wait3A_361 = arith.constant 0 : i32
    %dma_wait3A_362 = tpu.memref_slice %arg6[%dma_wait3A_351, %dma_wait3A_360, %dma_wait3A_361] : memref<3x256x128xf32, #tpu.memory_space<vmem>> -> memref<1x256x128xf32, #tpu.memory_space<vmem>>
    %dma_wait3A_363 = tpu.memref_squeeze %dma_wait3A_362 : memref<1x256x128xf32, #tpu.memory_space<vmem>> -> memref<256x128xf32, #tpu.memory_space<vmem>>
    tpu.wait_dma2 semaphore(%arg11 : memref<!tpu.dma_semaphore, #tpu.memory_space<semaphore_mem>>) src(%dma_wait3A_363 : memref<256x128xf32, #tpu.memory_space<vmem>>) dst(%dma_wait3A_359 : memref<256x128xf32, #tpu.memory_space<hbm>>)
    %add3A_364 = arith.constant 798 : i32
    %add3A_365 = arith.addi %mul3A_2, %add3A_364 : i32
    %dma_wait3A_366 = arith.constant 0 : i32
    %dma_wait3A_367 = arith.constant 0 : i32
    %dma_wait3A_368 = arith.constant 0 : i32
    %dma_wait3A_369 = tpu.memref_slice %arg5[%dma_wait3A_366, %dma_wait3A_367, %dma_wait3A_368] : memref<3x2x128xi32, #tpu.memory_space<vmem>> -> memref<1x2x128xi32, #tpu.memory_space<vmem>>
    %dma_wait3A_370 = tpu.memref_squeeze %dma_wait3A_369 : memref<1x2x128xi32, #tpu.memory_space<vmem>> -> memref<2x128xi32, #tpu.memory_space<vmem>>
    %dma_wait3A_371 = arith.constant 0 : i32
    %dma_wait3A_372 = tpu.memref_slice %arg3[%add3A_365, %dma_wait3A_371] : memref<25600x128xi32, #tpu.memory_space<hbm>> -> memref<2x128xi32, #tpu.memory_space<hbm>>
    %dma_wait3A_373 = arith.constant 0 : i32
    %dma_wait3A_374 = arith.constant 0 : i32
    %dma_wait3A_375 = tpu.memref_slice %arg5[%dma_wait3A_366, %dma_wait3A_373, %dma_wait3A_374] : memref<3x2x128xi32, #tpu.memory_space<vmem>> -> memref<1x2x128xi32, #tpu.memory_space<vmem>>
    %dma_wait3A_376 = tpu.memref_squeeze %dma_wait3A_375 : memref<1x2x128xi32, #tpu.memory_space<vmem>> -> memref<2x128xi32, #tpu.memory_space<vmem>>
    %dma_wait3A_377 = arith.constant 0 : i32
    %dma_wait3A_378 = tpu.memref_slice %arg3[%add3A_365, %dma_wait3A_377] : memref<25600x128xi32, #tpu.memory_space<hbm>> -> memref<2x128xi32, #tpu.memory_space<hbm>>
    tpu.wait_dma2 semaphore(%arg14 : memref<!tpu.dma_semaphore, #tpu.memory_space<semaphore_mem>>) src(%dma_wait3A_378 : memref<2x128xi32, #tpu.memory_space<hbm>>) dst(%dma_wait3A_376 : memref<2x128xi32, #tpu.memory_space<vmem>>)
    %dma_start3A_379 = arith.constant 0 : i32
    %dma_start3A_380 = arith.constant 0 : i32
    %dma_start3A_381 = arith.constant 0 : i32
    %dma_start3A_382 = arith.constant 0 : i32
    %dma_start3A_383 = arith.constant 0 : i32
    %dma_start3A_384 = tpu.memref_slice %arg6[%dma_start3A_381, %dma_start3A_382, %dma_start3A_383] : memref<3x256x128xf32, #tpu.memory_space<vmem>> -> memref<1x256x128xf32, #tpu.memory_space<vmem>>
    %dma_start3A_385 = tpu.memref_squeeze %dma_start3A_384 : memref<1x256x128xf32, #tpu.memory_space<vmem>> -> memref<256x128xf32, #tpu.memory_space<vmem>>
    %dma_start3A_386 = arith.constant 0 : i32
    %dma_start3A_387 = arith.constant 0 : i32
    %dma_start3A_388 = tpu.memref_slice %dma_start3A_385[%dma_start3A_386, %dma_start3A_387] : memref<256x128xf32, #tpu.memory_space<vmem>> -> memref<128x128xf32, #tpu.memory_space<vmem>>
    %dma_start3A_389 = arith.constant 0 : i32
    %dma_start3A_390 = arith.constant 0 : i32
    %dma_start3A_391 = tpu.memref_slice %arg5[%dma_start3A_379, %dma_start3A_389, %dma_start3A_390] : memref<3x2x128xi32, #tpu.memory_space<vmem>> -> memref<1x2x128xi32, #tpu.memory_space<vmem>>
    %dma_start3A_392 = tpu.memref_squeeze %dma_start3A_391 : memref<1x2x128xi32, #tpu.memory_space<vmem>> -> memref<2x128xi32, #tpu.memory_space<vmem>>
    %dma_start3A_393 = arith.constant 0 : i32
    %dma_start3A_394 = tpu.memref_slice %dma_start3A_392[%dma_start3A_380, %dma_start3A_393] : memref<2x128xi32, #tpu.memory_space<vmem>> -> memref<1x128xi32, #tpu.memory_space<vmem>>
    %dma_start3A_395 = tpu.memref_squeeze %dma_start3A_394 : memref<1x128xi32, #tpu.memory_space<vmem>> -> memref<128xi32, #tpu.memory_space<vmem>>
    %dma_start3A_396 = arith.constant 0 : i32
    %dma_start3A_397 = arith.constant 0 : i32
    %dma_start3A_398 = tpu.memref_slice %arg7[%dma_start3A_396, %dma_start3A_397] : memref<83x128xf32, #tpu.memory_space<vmem_shared>> -> memref<83x128xf32, #tpu.memory_space<vmem_shared>>
    tpu.enqueue_indirect_dma source(%dma_start3A_398 : memref<83x128xf32, #tpu.memory_space<vmem_shared>>) target(%dma_start3A_388 : memref<128x128xf32, #tpu.memory_space<vmem>>) offsets(%dma_start3A_395 : memref<128xi32, #tpu.memory_space<vmem>>) semaphore(%arg8 : memref<!tpu.dma_semaphore, #tpu.memory_space<semaphore_mem>>)
    %dma_start3A_399 = arith.constant 0 : i32
    %dma_start3A_400 = arith.constant 1 : i32
    %dma_start3A_401 = arith.constant 0 : i32
    %dma_start3A_402 = arith.constant 0 : i32
    %dma_start3A_403 = arith.constant 0 : i32
    %dma_start3A_404 = tpu.memref_slice %arg6[%dma_start3A_401, %dma_start3A_402, %dma_start3A_403] : memref<3x256x128xf32, #tpu.memory_space<vmem>> -> memref<1x256x128xf32, #tpu.memory_space<vmem>>
    %dma_start3A_405 = tpu.memref_squeeze %dma_start3A_404 : memref<1x256x128xf32, #tpu.memory_space<vmem>> -> memref<256x128xf32, #tpu.memory_space<vmem>>
    %dma_start3A_406 = arith.constant 128 : i32
    %dma_start3A_407 = arith.constant 0 : i32
    %dma_start3A_408 = tpu.memref_slice %dma_start3A_405[%dma_start3A_406, %dma_start3A_407] : memref<256x128xf32, #tpu.memory_space<vmem>> -> memref<128x128xf32, #tpu.memory_space<vmem>>
    %dma_start3A_409 = arith.constant 0 : i32
    %dma_start3A_410 = arith.constant 0 : i32
    %dma_start3A_411 = tpu.memref_slice %arg5[%dma_start3A_399, %dma_start3A_409, %dma_start3A_410] : memref<3x2x128xi32, #tpu.memory_space<vmem>> -> memref<1x2x128xi32, #tpu.memory_space<vmem>>
    %dma_start3A_412 = tpu.memref_squeeze %dma_start3A_411 : memref<1x2x128xi32, #tpu.memory_space<vmem>> -> memref<2x128xi32, #tpu.memory_space<vmem>>
    %dma_start3A_413 = arith.constant 0 : i32
    %dma_start3A_414 = tpu.memref_slice %dma_start3A_412[%dma_start3A_400, %dma_start3A_413] : memref<2x128xi32, #tpu.memory_space<vmem>> -> memref<1x128xi32, #tpu.memory_space<vmem>>
    %dma_start3A_415 = tpu.memref_squeeze %dma_start3A_414 : memref<1x128xi32, #tpu.memory_space<vmem>> -> memref<128xi32, #tpu.memory_space<vmem>>
    %dma_start3A_416 = arith.constant 0 : i32
    %dma_start3A_417 = arith.constant 0 : i32
    %dma_start3A_418 = tpu.memref_slice %arg7[%dma_start3A_416, %dma_start3A_417] : memref<83x128xf32, #tpu.memory_space<vmem_shared>> -> memref<83x128xf32, #tpu.memory_space<vmem_shared>>
    tpu.enqueue_indirect_dma source(%dma_start3A_418 : memref<83x128xf32, #tpu.memory_space<vmem_shared>>) target(%dma_start3A_408 : memref<128x128xf32, #tpu.memory_space<vmem>>) offsets(%dma_start3A_415 : memref<128xi32, #tpu.memory_space<vmem>>) semaphore(%arg8 : memref<!tpu.dma_semaphore, #tpu.memory_space<semaphore_mem>>)
    %dma_wait3A_419 = arith.constant 2 : i32
    %dma_wait3A_420 = arith.constant 0 : i32
    %dma_wait3A_421 = arith.constant 2 : i32
    %dma_wait3A_422 = arith.constant 0 : i32
    %dma_wait3A_423 = arith.constant 0 : i32
    %dma_wait3A_424 = tpu.memref_slice %arg6[%dma_wait3A_421, %dma_wait3A_422, %dma_wait3A_423] : memref<3x256x128xf32, #tpu.memory_space<vmem>> -> memref<1x256x128xf32, #tpu.memory_space<vmem>>
    %dma_wait3A_425 = tpu.memref_squeeze %dma_wait3A_424 : memref<1x256x128xf32, #tpu.memory_space<vmem>> -> memref<256x128xf32, #tpu.memory_space<vmem>>
    %dma_wait3A_426 = arith.constant 0 : i32
    %dma_wait3A_427 = arith.constant 0 : i32
    %dma_wait3A_428 = tpu.memref_slice %dma_wait3A_425[%dma_wait3A_426, %dma_wait3A_427] : memref<256x128xf32, #tpu.memory_space<vmem>> -> memref<128x128xf32, #tpu.memory_space<vmem>>
    %dma_wait3A_429 = arith.constant 0 : i32
    %dma_wait3A_430 = arith.constant 0 : i32
    %dma_wait3A_431 = tpu.memref_slice %arg5[%dma_wait3A_419, %dma_wait3A_429, %dma_wait3A_430] : memref<3x2x128xi32, #tpu.memory_space<vmem>> -> memref<1x2x128xi32, #tpu.memory_space<vmem>>
    %dma_wait3A_432 = tpu.memref_squeeze %dma_wait3A_431 : memref<1x2x128xi32, #tpu.memory_space<vmem>> -> memref<2x128xi32, #tpu.memory_space<vmem>>
    %dma_wait3A_433 = arith.constant 0 : i32
    %dma_wait3A_434 = tpu.memref_slice %dma_wait3A_432[%dma_wait3A_420, %dma_wait3A_433] : memref<2x128xi32, #tpu.memory_space<vmem>> -> memref<1x128xi32, #tpu.memory_space<vmem>>
    %dma_wait3A_435 = tpu.memref_squeeze %dma_wait3A_434 : memref<1x128xi32, #tpu.memory_space<vmem>> -> memref<128xi32, #tpu.memory_space<vmem>>
    %dma_wait3A_436 = arith.constant 0 : i32
    %dma_wait3A_437 = arith.constant 0 : i32
    %dma_wait3A_438 = tpu.memref_slice %arg7[%dma_wait3A_436, %dma_wait3A_437] : memref<83x128xf32, #tpu.memory_space<vmem_shared>> -> memref<83x128xf32, #tpu.memory_space<vmem_shared>>
    tpu.wait_indirect_dma semaphore(%arg10 : memref<!tpu.dma_semaphore, #tpu.memory_space<semaphore_mem>>) src(%dma_wait3A_438 : memref<83x128xf32, #tpu.memory_space<vmem_shared>>) dst(%dma_wait3A_428 : memref<128x128xf32, #tpu.memory_space<vmem>>)
    %dma_wait3A_439 = arith.constant 2 : i32
    %dma_wait3A_440 = arith.constant 1 : i32
    %dma_wait3A_441 = arith.constant 2 : i32
    %dma_wait3A_442 = arith.constant 0 : i32
    %dma_wait3A_443 = arith.constant 0 : i32
    %dma_wait3A_444 = tpu.memref_slice %arg6[%dma_wait3A_441, %dma_wait3A_442, %dma_wait3A_443] : memref<3x256x128xf32, #tpu.memory_space<vmem>> -> memref<1x256x128xf32, #tpu.memory_space<vmem>>
    %dma_wait3A_445 = tpu.memref_squeeze %dma_wait3A_444 : memref<1x256x128xf32, #tpu.memory_space<vmem>> -> memref<256x128xf32, #tpu.memory_space<vmem>>
    %dma_wait3A_446 = arith.constant 128 : i32
    %dma_wait3A_447 = arith.constant 0 : i32
    %dma_wait3A_448 = tpu.memref_slice %dma_wait3A_445[%dma_wait3A_446, %dma_wait3A_447] : memref<256x128xf32, #tpu.memory_space<vmem>> -> memref<128x128xf32, #tpu.memory_space<vmem>>
    %dma_wait3A_449 = arith.constant 0 : i32
    %dma_wait3A_450 = arith.constant 0 : i32
    %dma_wait3A_451 = tpu.memref_slice %arg5[%dma_wait3A_439, %dma_wait3A_449, %dma_wait3A_450] : memref<3x2x128xi32, #tpu.memory_space<vmem>> -> memref<1x2x128xi32, #tpu.memory_space<vmem>>
    %dma_wait3A_452 = tpu.memref_squeeze %dma_wait3A_451 : memref<1x2x128xi32, #tpu.memory_space<vmem>> -> memref<2x128xi32, #tpu.memory_space<vmem>>
    %dma_wait3A_453 = arith.constant 0 : i32
    %dma_wait3A_454 = tpu.memref_slice %dma_wait3A_452[%dma_wait3A_440, %dma_wait3A_453] : memref<2x128xi32, #tpu.memory_space<vmem>> -> memref<1x128xi32, #tpu.memory_space<vmem>>
    %dma_wait3A_455 = tpu.memref_squeeze %dma_wait3A_454 : memref<1x128xi32, #tpu.memory_space<vmem>> -> memref<128xi32, #tpu.memory_space<vmem>>
    %dma_wait3A_456 = arith.constant 0 : i32
    %dma_wait3A_457 = arith.constant 0 : i32
    %dma_wait3A_458 = tpu.memref_slice %arg7[%dma_wait3A_456, %dma_wait3A_457] : memref<83x128xf32, #tpu.memory_space<vmem_shared>> -> memref<83x128xf32, #tpu.memory_space<vmem_shared>>
    tpu.wait_indirect_dma semaphore(%arg10 : memref<!tpu.dma_semaphore, #tpu.memory_space<semaphore_mem>>) src(%dma_wait3A_458 : memref<83x128xf32, #tpu.memory_space<vmem_shared>>) dst(%dma_wait3A_448 : memref<128x128xf32, #tpu.memory_space<vmem>>)
    %add3A_459 = arith.constant 796 : i32
    %add3A_460 = arith.addi %mul3A_2, %add3A_459 : i32
    %mul3A_461 = arith.constant 128 : i32
    %mul3A_462 = arith.muli %add3A_460, %mul3A_461 : i32
    %dma_start3A_463 = arith.constant 2 : i32
    %dma_start3A_464 = arith.constant 0 : i32
    %dma_start3A_465 = arith.constant 0 : i32
    %dma_start3A_466 = tpu.memref_slice %arg6[%dma_start3A_463, %dma_start3A_464, %dma_start3A_465] : memref<3x256x128xf32, #tpu.memory_space<vmem>> -> memref<1x256x128xf32, #tpu.memory_space<vmem>>
    %dma_start3A_467 = tpu.memref_squeeze %dma_start3A_466 : memref<1x256x128xf32, #tpu.memory_space<vmem>> -> memref<256x128xf32, #tpu.memory_space<vmem>>
    %dma_start3A_468 = arith.constant 0 : i32
    %dma_start3A_469 = tpu.memref_slice %arg4[%mul3A_462, %dma_start3A_468] : memref<3276800x128xf32, #tpu.memory_space<hbm>> -> memref<256x128xf32, #tpu.memory_space<hbm>>
    %dma_start3A_470 = arith.constant 0 : i32
    %dma_start3A_471 = tpu.memref_slice %arg4[%mul3A_462, %dma_start3A_470] : memref<3276800x128xf32, #tpu.memory_space<hbm>> -> memref<256x128xf32, #tpu.memory_space<hbm>>
    %dma_start3A_472 = arith.constant 0 : i32
    %dma_start3A_473 = arith.constant 0 : i32
    %dma_start3A_474 = tpu.memref_slice %arg6[%dma_start3A_463, %dma_start3A_472, %dma_start3A_473] : memref<3x256x128xf32, #tpu.memory_space<vmem>> -> memref<1x256x128xf32, #tpu.memory_space<vmem>>
    %dma_start3A_475 = tpu.memref_squeeze %dma_start3A_474 : memref<1x256x128xf32, #tpu.memory_space<vmem>> -> memref<256x128xf32, #tpu.memory_space<vmem>>
    tpu.enqueue_dma source(%dma_start3A_475 : memref<256x128xf32, #tpu.memory_space<vmem>>) target(%dma_start3A_471 : memref<256x128xf32, #tpu.memory_space<hbm>>) target_semaphore(%arg13 : memref<!tpu.dma_semaphore, #tpu.memory_space<semaphore_mem>>)
    %add3A_476 = arith.constant 794 : i32
    %add3A_477 = arith.addi %mul3A_2, %add3A_476 : i32
    %mul3A_478 = arith.constant 128 : i32
    %mul3A_479 = arith.muli %add3A_477, %mul3A_478 : i32
    %dma_wait3A_480 = arith.constant 1 : i32
    %dma_wait3A_481 = arith.constant 0 : i32
    %dma_wait3A_482 = arith.constant 0 : i32
    %dma_wait3A_483 = tpu.memref_slice %arg6[%dma_wait3A_480, %dma_wait3A_481, %dma_wait3A_482] : memref<3x256x128xf32, #tpu.memory_space<vmem>> -> memref<1x256x128xf32, #tpu.memory_space<vmem>>
    %dma_wait3A_484 = tpu.memref_squeeze %dma_wait3A_483 : memref<1x256x128xf32, #tpu.memory_space<vmem>> -> memref<256x128xf32, #tpu.memory_space<vmem>>
    %dma_wait3A_485 = arith.constant 0 : i32
    %dma_wait3A_486 = tpu.memref_slice %arg4[%mul3A_479, %dma_wait3A_485] : memref<3276800x128xf32, #tpu.memory_space<hbm>> -> memref<256x128xf32, #tpu.memory_space<hbm>>
    %dma_wait3A_487 = arith.constant 0 : i32
    %dma_wait3A_488 = tpu.memref_slice %arg4[%mul3A_479, %dma_wait3A_487] : memref<3276800x128xf32, #tpu.memory_space<hbm>> -> memref<256x128xf32, #tpu.memory_space<hbm>>
    %dma_wait3A_489 = arith.constant 0 : i32
    %dma_wait3A_490 = arith.constant 0 : i32
    %dma_wait3A_491 = tpu.memref_slice %arg6[%dma_wait3A_480, %dma_wait3A_489, %dma_wait3A_490] : memref<3x256x128xf32, #tpu.memory_space<vmem>> -> memref<1x256x128xf32, #tpu.memory_space<vmem>>
    %dma_wait3A_492 = tpu.memref_squeeze %dma_wait3A_491 : memref<1x256x128xf32, #tpu.memory_space<vmem>> -> memref<256x128xf32, #tpu.memory_space<vmem>>
    tpu.wait_dma2 semaphore(%arg12 : memref<!tpu.dma_semaphore, #tpu.memory_space<semaphore_mem>>) src(%dma_wait3A_492 : memref<256x128xf32, #tpu.memory_space<vmem>>) dst(%dma_wait3A_488 : memref<256x128xf32, #tpu.memory_space<hbm>>)
    %dma_wait3A_493 = arith.constant 0 : i32
    %dma_wait3A_494 = arith.constant 0 : i32
    %dma_wait3A_495 = arith.constant 0 : i32
    %dma_wait3A_496 = arith.constant 0 : i32
    %dma_wait3A_497 = arith.constant 0 : i32
    %dma_wait3A_498 = tpu.memref_slice %arg6[%dma_wait3A_495, %dma_wait3A_496, %dma_wait3A_497] : memref<3x256x128xf32, #tpu.memory_space<vmem>> -> memref<1x256x128xf32, #tpu.memory_space<vmem>>
    %dma_wait3A_499 = tpu.memref_squeeze %dma_wait3A_498 : memref<1x256x128xf32, #tpu.memory_space<vmem>> -> memref<256x128xf32, #tpu.memory_space<vmem>>
    %dma_wait3A_500 = arith.constant 0 : i32
    %dma_wait3A_501 = arith.constant 0 : i32
    %dma_wait3A_502 = tpu.memref_slice %dma_wait3A_499[%dma_wait3A_500, %dma_wait3A_501] : memref<256x128xf32, #tpu.memory_space<vmem>> -> memref<128x128xf32, #tpu.memory_space<vmem>>
    %dma_wait3A_503 = arith.constant 0 : i32
    %dma_wait3A_504 = arith.constant 0 : i32
    %dma_wait3A_505 = tpu.memref_slice %arg5[%dma_wait3A_493, %dma_wait3A_503, %dma_wait3A_504] : memref<3x2x128xi32, #tpu.memory_space<vmem>> -> memref<1x2x128xi32, #tpu.memory_space<vmem>>
    %dma_wait3A_506 = tpu.memref_squeeze %dma_wait3A_505 : memref<1x2x128xi32, #tpu.memory_space<vmem>> -> memref<2x128xi32, #tpu.memory_space<vmem>>
    %dma_wait3A_507 = arith.constant 0 : i32
    %dma_wait3A_508 = tpu.memref_slice %dma_wait3A_506[%dma_wait3A_494, %dma_wait3A_507] : memref<2x128xi32, #tpu.memory_space<vmem>> -> memref<1x128xi32, #tpu.memory_space<vmem>>
    %dma_wait3A_509 = tpu.memref_squeeze %dma_wait3A_508 : memref<1x128xi32, #tpu.memory_space<vmem>> -> memref<128xi32, #tpu.memory_space<vmem>>
    %dma_wait3A_510 = arith.constant 0 : i32
    %dma_wait3A_511 = arith.constant 0 : i32
    %dma_wait3A_512 = tpu.memref_slice %arg7[%dma_wait3A_510, %dma_wait3A_511] : memref<83x128xf32, #tpu.memory_space<vmem_shared>> -> memref<83x128xf32, #tpu.memory_space<vmem_shared>>
    tpu.wait_indirect_dma semaphore(%arg8 : memref<!tpu.dma_semaphore, #tpu.memory_space<semaphore_mem>>) src(%dma_wait3A_512 : memref<83x128xf32, #tpu.memory_space<vmem_shared>>) dst(%dma_wait3A_502 : memref<128x128xf32, #tpu.memory_space<vmem>>)
    %dma_wait3A_513 = arith.constant 0 : i32
    %dma_wait3A_514 = arith.constant 1 : i32
    %dma_wait3A_515 = arith.constant 0 : i32
    %dma_wait3A_516 = arith.constant 0 : i32
    %dma_wait3A_517 = arith.constant 0 : i32
    %dma_wait3A_518 = tpu.memref_slice %arg6[%dma_wait3A_515, %dma_wait3A_516, %dma_wait3A_517] : memref<3x256x128xf32, #tpu.memory_space<vmem>> -> memref<1x256x128xf32, #tpu.memory_space<vmem>>
    %dma_wait3A_519 = tpu.memref_squeeze %dma_wait3A_518 : memref<1x256x128xf32, #tpu.memory_space<vmem>> -> memref<256x128xf32, #tpu.memory_space<vmem>>
    %dma_wait3A_520 = arith.constant 128 : i32
    %dma_wait3A_521 = arith.constant 0 : i32
    %dma_wait3A_522 = tpu.memref_slice %dma_wait3A_519[%dma_wait3A_520, %dma_wait3A_521] : memref<256x128xf32, #tpu.memory_space<vmem>> -> memref<128x128xf32, #tpu.memory_space<vmem>>
    %dma_wait3A_523 = arith.constant 0 : i32
    %dma_wait3A_524 = arith.constant 0 : i32
    %dma_wait3A_525 = tpu.memref_slice %arg5[%dma_wait3A_513, %dma_wait3A_523, %dma_wait3A_524] : memref<3x2x128xi32, #tpu.memory_space<vmem>> -> memref<1x2x128xi32, #tpu.memory_space<vmem>>
    %dma_wait3A_526 = tpu.memref_squeeze %dma_wait3A_525 : memref<1x2x128xi32, #tpu.memory_space<vmem>> -> memref<2x128xi32, #tpu.memory_space<vmem>>
    %dma_wait3A_527 = arith.constant 0 : i32
    %dma_wait3A_528 = tpu.memref_slice %dma_wait3A_526[%dma_wait3A_514, %dma_wait3A_527] : memref<2x128xi32, #tpu.memory_space<vmem>> -> memref<1x128xi32, #tpu.memory_space<vmem>>
    %dma_wait3A_529 = tpu.memref_squeeze %dma_wait3A_528 : memref<1x128xi32, #tpu.memory_space<vmem>> -> memref<128xi32, #tpu.memory_space<vmem>>
    %dma_wait3A_530 = arith.constant 0 : i32
    %dma_wait3A_531 = arith.constant 0 : i32
    %dma_wait3A_532 = tpu.memref_slice %arg7[%dma_wait3A_530, %dma_wait3A_531] : memref<83x128xf32, #tpu.memory_space<vmem_shared>> -> memref<83x128xf32, #tpu.memory_space<vmem_shared>>
    tpu.wait_indirect_dma semaphore(%arg8 : memref<!tpu.dma_semaphore, #tpu.memory_space<semaphore_mem>>) src(%dma_wait3A_532 : memref<83x128xf32, #tpu.memory_space<vmem_shared>>) dst(%dma_wait3A_522 : memref<128x128xf32, #tpu.memory_space<vmem>>)
    %add3A_533 = arith.constant 798 : i32
    %add3A_534 = arith.addi %mul3A_2, %add3A_533 : i32
    %mul3A_535 = arith.constant 128 : i32
    %mul3A_536 = arith.muli %add3A_534, %mul3A_535 : i32
    %dma_start3A_537 = arith.constant 0 : i32
    %dma_start3A_538 = arith.constant 0 : i32
    %dma_start3A_539 = arith.constant 0 : i32
    %dma_start3A_540 = tpu.memref_slice %arg6[%dma_start3A_537, %dma_start3A_538, %dma_start3A_539] : memref<3x256x128xf32, #tpu.memory_space<vmem>> -> memref<1x256x128xf32, #tpu.memory_space<vmem>>
    %dma_start3A_541 = tpu.memref_squeeze %dma_start3A_540 : memref<1x256x128xf32, #tpu.memory_space<vmem>> -> memref<256x128xf32, #tpu.memory_space<vmem>>
    %dma_start3A_542 = arith.constant 0 : i32
    %dma_start3A_543 = tpu.memref_slice %arg4[%mul3A_536, %dma_start3A_542] : memref<3276800x128xf32, #tpu.memory_space<hbm>> -> memref<256x128xf32, #tpu.memory_space<hbm>>
    %dma_start3A_544 = arith.constant 0 : i32
    %dma_start3A_545 = tpu.memref_slice %arg4[%mul3A_536, %dma_start3A_544] : memref<3276800x128xf32, #tpu.memory_space<hbm>> -> memref<256x128xf32, #tpu.memory_space<hbm>>
    %dma_start3A_546 = arith.constant 0 : i32
    %dma_start3A_547 = arith.constant 0 : i32
    %dma_start3A_548 = tpu.memref_slice %arg6[%dma_start3A_537, %dma_start3A_546, %dma_start3A_547] : memref<3x256x128xf32, #tpu.memory_space<vmem>> -> memref<1x256x128xf32, #tpu.memory_space<vmem>>
    %dma_start3A_549 = tpu.memref_squeeze %dma_start3A_548 : memref<1x256x128xf32, #tpu.memory_space<vmem>> -> memref<256x128xf32, #tpu.memory_space<vmem>>
    tpu.enqueue_dma source(%dma_start3A_549 : memref<256x128xf32, #tpu.memory_space<vmem>>) target(%dma_start3A_545 : memref<256x128xf32, #tpu.memory_space<hbm>>) target_semaphore(%arg11 : memref<!tpu.dma_semaphore, #tpu.memory_space<semaphore_mem>>)
    %add3A_550 = arith.constant 796 : i32
    %add3A_551 = arith.addi %mul3A_2, %add3A_550 : i32
    %mul3A_552 = arith.constant 128 : i32
    %mul3A_553 = arith.muli %add3A_551, %mul3A_552 : i32
    %dma_wait3A_554 = arith.constant 2 : i32
    %dma_wait3A_555 = arith.constant 0 : i32
    %dma_wait3A_556 = arith.constant 0 : i32
    %dma_wait3A_557 = tpu.memref_slice %arg6[%dma_wait3A_554, %dma_wait3A_555, %dma_wait3A_556] : memref<3x256x128xf32, #tpu.memory_space<vmem>> -> memref<1x256x128xf32, #tpu.memory_space<vmem>>
    %dma_wait3A_558 = tpu.memref_squeeze %dma_wait3A_557 : memref<1x256x128xf32, #tpu.memory_space<vmem>> -> memref<256x128xf32, #tpu.memory_space<vmem>>
    %dma_wait3A_559 = arith.constant 0 : i32
    %dma_wait3A_560 = tpu.memref_slice %arg4[%mul3A_553, %dma_wait3A_559] : memref<3276800x128xf32, #tpu.memory_space<hbm>> -> memref<256x128xf32, #tpu.memory_space<hbm>>
    %dma_wait3A_561 = arith.constant 0 : i32
    %dma_wait3A_562 = tpu.memref_slice %arg4[%mul3A_553, %dma_wait3A_561] : memref<3276800x128xf32, #tpu.memory_space<hbm>> -> memref<256x128xf32, #tpu.memory_space<hbm>>
    %dma_wait3A_563 = arith.constant 0 : i32
    %dma_wait3A_564 = arith.constant 0 : i32
    %dma_wait3A_565 = tpu.memref_slice %arg6[%dma_wait3A_554, %dma_wait3A_563, %dma_wait3A_564] : memref<3x256x128xf32, #tpu.memory_space<vmem>> -> memref<1x256x128xf32, #tpu.memory_space<vmem>>
    %dma_wait3A_566 = tpu.memref_squeeze %dma_wait3A_565 : memref<1x256x128xf32, #tpu.memory_space<vmem>> -> memref<256x128xf32, #tpu.memory_space<vmem>>
    tpu.wait_dma2 semaphore(%arg13 : memref<!tpu.dma_semaphore, #tpu.memory_space<semaphore_mem>>) src(%dma_wait3A_566 : memref<256x128xf32, #tpu.memory_space<vmem>>) dst(%dma_wait3A_562 : memref<256x128xf32, #tpu.memory_space<hbm>>)
    %add3A_567 = arith.constant 798 : i32
    %add3A_568 = arith.addi %mul3A_2, %add3A_567 : i32
    %mul3A_569 = arith.constant 128 : i32
    %mul3A_570 = arith.muli %add3A_568, %mul3A_569 : i32
    %dma_wait3A_571 = arith.constant 0 : i32
    %dma_wait3A_572 = arith.constant 0 : i32
    %dma_wait3A_573 = arith.constant 0 : i32
    %dma_wait3A_574 = tpu.memref_slice %arg6[%dma_wait3A_571, %dma_wait3A_572, %dma_wait3A_573] : memref<3x256x128xf32, #tpu.memory_space<vmem>> -> memref<1x256x128xf32, #tpu.memory_space<vmem>>
    %dma_wait3A_575 = tpu.memref_squeeze %dma_wait3A_574 : memref<1x256x128xf32, #tpu.memory_space<vmem>> -> memref<256x128xf32, #tpu.memory_space<vmem>>
    %dma_wait3A_576 = arith.constant 0 : i32
    %dma_wait3A_577 = tpu.memref_slice %arg4[%mul3A_570, %dma_wait3A_576] : memref<3276800x128xf32, #tpu.memory_space<hbm>> -> memref<256x128xf32, #tpu.memory_space<hbm>>
    %dma_wait3A_578 = arith.constant 0 : i32
    %dma_wait3A_579 = tpu.memref_slice %arg4[%mul3A_570, %dma_wait3A_578] : memref<3276800x128xf32, #tpu.memory_space<hbm>> -> memref<256x128xf32, #tpu.memory_space<hbm>>
    %dma_wait3A_580 = arith.constant 0 : i32
    %dma_wait3A_581 = arith.constant 0 : i32
    %dma_wait3A_582 = tpu.memref_slice %arg6[%dma_wait3A_571, %dma_wait3A_580, %dma_wait3A_581] : memref<3x256x128xf32, #tpu.memory_space<vmem>> -> memref<1x256x128xf32, #tpu.memory_space<vmem>>
    %dma_wait3A_583 = tpu.memref_squeeze %dma_wait3A_582 : memref<1x256x128xf32, #tpu.memory_space<vmem>> -> memref<256x128xf32, #tpu.memory_space<vmem>>
    tpu.wait_dma2 semaphore(%arg11 : memref<!tpu.dma_semaphore, #tpu.memory_space<semaphore_mem>>) src(%dma_wait3A_583 : memref<256x128xf32, #tpu.memory_space<vmem>>) dst(%dma_wait3A_579 : memref<256x128xf32, #tpu.memory_space<hbm>>)
    return
  }
}

</mosaic_0001>

<sc_bundles>
// kernel: kernel.3.cloned.1.call-start
scs
__scs_entry_jumppad:
0x0: {  	(pc) =	sbr.rel $0x88, $3  }
0x1: {  	(tag) =	ssettag $0x0;
	lr =	simm.s32 $0x1  }
0x2: {  	[smem:$0x3F9F] =	sst lr;
	_ =	strace $0xD0000000  }
0x3: {  	_ = 	snop  }
0x4: {  	_ = 	snop  }
0x5: {  	_ = 	snop  }
0x6: {  	_ = 	snop  }
0x7: {  	_ = 	snop  }
__scs_overlays_trampoline_lowered:
0x8: {  	[smem:$0x3FAE] =	sst s0  }
0x9: {  	[smem:$0x3FAF] =	sst s1  }
0xa: {  	[smem:$0x3FB0] =	sst s2  }
0xb: {  	[smem:$0x3FB1] =	sst s3  }
0xc: {  	[smem:$0x3FB2] =	sst s4  }
0xd: {  	[smem:$0x3FB3] =	sst s5  }
0xe: {  	[smem:$0x3FB4] =	sst s6  }
0xf: {  	[smem:$0x3FB5] =	sst s7  }
0x10: {  	[smem:$0x3FB6] =	sst s8  }
0x11: {  	[smem:$0x3FB7] =	sst s9;
	s0 =	simm.s32 @!p0 $0x0  }
0x12: {  	s1 =	sld [smem:$0x3F9D];
	s0 =	simm.s32 @p0 $0x1  }
0x13: {  	[smem:$0x3FB8] =	sst s0;
	s0 =	simm.s32 @!p1 $0x0  }
0x14: {  	s2 =	sld [smem:$0x3F9C];
	s0 =	simm.s32 @p1 $0x1  }
0x15: {  	[smem:$0x3FB9] =	sst s0;
	s0 =	simm.s32 @!p2 $0x0  }
0x16: {  	s3 =	sld [smem:$0x3FDB];
	s0 =	simm.s32 @p2 $0x1  }
0x17: {  	s4 =	simm.s32 $0x1BF5;
	[smem:$0x3FBB] =	sst s0  }
0x18: {  	s0 =	sld [smem:$0x3F9E];
	_ =	swait.ge [sflag:s4], $0x0  }
0x19: {  	s7 =	sld [smem:$0x3F9F]  }
0x1a: {  	s8 =	sadd.s32 $0xFFFFE003, lr  }
0x1b: {  	s9 =	sadd.s32 $0xFFFFFEF7, lr;
	s5 =	simm.s32 $0xFFFFFFFF;
	p2 =	slt.u32 s8, $0xFFFFF086  }
0x1c: {  	p1 =	slt.u32 s9, $0xF7A;
	s5 =	simm.s32 @!p2 $0x0  }
0x1d: {  	s5 =	simm.s32 @p1 $0x1;
	p0 =	seq.s32 s7, s2  }
0x1e: {  	s7 =	smul.u32 @!p0 $0xF7A, s2;
	p2 =	seq.s32 @!p0 s5, $0x0  }
0x1f: {  	s9 =	smul.u32 $0xF7A, s1;
	s8 =	simm.s32 @!p0 $0x1BF5;
	p2 =	por !p2, p0  }
0x20: {  	[sflag:s8] =	ssyncset.s32 @!p0 $0xFFFFF086;
	s6 =	sadd.s32 @!p0 s3, s7;
	s7 =	simm.s32 @!p0 $0x108  }
0x21: {  	s3 =	sadd.s32 s3, s9;
	s6 =	sadd.s32 @!p0 $0x88, s6;
	s7 =	simm.s32 @p2 $0x1082  }
0x22: {  	[simem:s7], [sflag:s8] =	dma.local @!p0 [hbm:s6], $0xF7A  }
0x23: {  	s9 =	sor.u32 $0xD0000000, s2;
	s6 =	simm.s32 $0x108;
	_ =	swait.ge @!p0 [sflag:s8], $0x0  }
0x24: {  	s3 =	sadd.s32 $0x88, s3;
	s6 =	simm.s32 @!p1 $0x1082;
	[sflag:s4] =	ssyncset.s32 $0xFFFFF086  }
0x25: {  	[simem:s6], [sflag:s4] =	dma.local [hbm:s3], $0xF7A  }
0x26: {  	[smem:$0x3F9F] =	sst s1;
	(tag) =	ssettag s2;
	_ =	strace s9  }
0x27: {  	s1 =	sld [smem:$0x3FAF]  }
0x28: {  	s2 =	sld [smem:$0x3FB0]  }
0x29: {  	s4 =	sld [smem:$0x3FB2]  }
0x2a: {  	p0 =	seq.s32 s5, $0x0;
	s5 =	sld [smem:$0x3FB3]  }
0x2b: {  	s6 =	sld [smem:$0x3FB4]  }
0x2c: {  	s7 =	sld [smem:$0x3FB5]  }
0x2d: {  	s3 =	simm.s32 $0x108;
	s8 =	sld [smem:$0x3FB6]  }
0x2e: {  	s3 =	simm.s32 @!p0 $0x1082;
	s9 =	sld [smem:$0x3FB7]  }
0x2f: {  	lr =	sadd.s32 s0, s3;
	s0 =	sld [smem:$0x3FAE]  }
0x30: {  	s3 =	sld [smem:$0x3FB1]  }
0x31: {  	[smem:$0x3FBA] =	sst s10  }
0x32: {  	s10 =	sld [smem:$0x3FB8];
	_ =	sdelay $0x3  }
0x33: {  	p0 =	seq.s32 s10, $0x1;
	s10 =	sld [smem:$0x3FBA];
	_ =	sdelay $0x3  }
0x34: {  	[smem:$0x3FBA] =	sst s10  }
0x35: {  	s10 =	sld [smem:$0x3FB9];
	_ =	sdelay $0x3  }
0x36: {  	p1 =	seq.s32 s10, $0x1;
	s10 =	sld [smem:$0x3FBA];
	_ =	sdelay $0x3  }
0x37: {  	[smem:$0x3FBA] =	sst s10  }
0x38: {  	s10 =	sld [smem:$0x3FBB]  }
0x39: {  	_ = 	snop;
	(pc) =	sbr.ind lr, $3  }
0x3a: {  	_ = 	snop  }
0x3b: {  	_ = 	snop  }
0x3c: {  	p2 =	seq.s32 s10, $0x1;
	s10 =	sld [smem:$0x3FBA]  }
0x3d: {  	_ =	shalt  }
0x3e: {  	_ =	shalt  }
0x3f: {  	_ =	shalt  }
0x40: {  	_ =	shalt  }
0x41: {  	_ =	shalt  }
0x42: {  	_ =	shalt  }
0x43: {  	_ =	shalt  }
0x44: {  	_ =	shalt  }
0x45: {  	_ =	shalt  }
0x46: {  	_ =	shalt  }
0x47: {  	_ =	shalt  }
0x48: {  	_ =	shalt  }
0x49: {  	_ =	shalt  }
0x4a: {  	_ =	shalt  }
0x4b: {  	_ =	shalt  }
0x4c: {  	_ =	shalt  }
0x4d: {  	_ =	shalt  }
0x4e: {  	_ =	shalt  }
0x4f: {  	_ =	shalt  }
0x50: {  	_ =	shalt  }
0x51: {  	_ =	shalt  }
0x52: {  	_ =	shalt  }
0x53: {  	_ =	shalt  }
0x54: {  	_ =	shalt  }
0x55: {  	_ =	shalt  }
0x56: {  	_ =	shalt  }
0x57: {  	_ =	shalt  }
0x58: {  	_ =	shalt  }
0x59: {  	_ =	shalt  }
0x5a: {  	_ =	shalt  }
0x5b: {  	_ =	shalt  }
0x5c: {  	_ =	shalt  }
0x5d: {  	_ =	shalt  }
0x5e: {  	_ =	shalt  }
0x5f: {  	_ =	shalt  }
0x60: {  	_ =	shalt  }
0x61: {  	_ =	shalt  }
0x62: {  	_ =	shalt  }
0x63: {  	_ =	shalt  }
0x64: {  	_ =	shalt  }
0x65: {  	_ =	shalt  }
0x66: {  	_ =	shalt  }
0x67: {  	_ =	shalt  }
0x68: {  	_ =	shalt  }
0x69: {  	_ =	shalt  }
0x6a: {  	_ =	shalt  }
0x6b: {  	_ =	shalt  }
0x6c: {  	_ =	shalt  }
0x6d: {  	_ =	shalt  }
0x6e: {  	_ =	shalt  }
0x6f: {  	_ =	shalt  }
0x70: {  	_ =	shalt  }
0x71: {  	_ =	shalt  }
0x72: {  	_ =	shalt  }
0x73: {  	_ =	shalt  }
0x74: {  	_ =	shalt  }
0x75: {  	_ =	shalt  }
0x76: {  	_ =	shalt  }
0x77: {  	_ =	shalt  }
0x78: {  	_ =	shalt  }
0x79: {  	_ =	shalt  }
0x7a: {  	_ =	shalt  }
0x7b: {  	_ =	shalt  }
0x7c: {  	_ =	shalt  }
0x7d: {  	_ =	shalt  }
0x7e: {  	_ =	shalt  }
0x7f: {  	_ =	shalt  }
0x80: {  	_ =	shalt  }
0x81: {  	_ =	shalt  }
0x82: {  	_ =	shalt  }
0x83: {  	_ =	shalt  }
0x84: {  	_ =	shalt  }
0x85: {  	_ =	shalt  }
0x86: {  	_ =	shalt  }
0x87: {  	_ =	shalt  }
.Lfunc_end0:
.L_simem_size_0:
called_computation_lowered:
.L_overlay_start_0:
0x88: {  	s2 =	sld [smem:$0x3FD9]  }
0x89: {  	s3 =	sld [smem:$0x3FFE];
	_ =	sdelay $0x1  }
0x8a: {  	s1 =	srdreg.scid  }
0x8b: {  	s0 =	sand.u32 $0x1, s1  }
0x8c: {  	s17 =	sshll.u32 s0, $0xA;
	s2 =	sadd.s32 s3, s2  }
0x8d: {  	s2 =	sadd.s32 s2, s17  }
0x8e: {  	[smem:$0x3FC6] =	sst s2  }
0x8f: {  	_ = 	snop  }
0x90: {  	s2 =	sld [smem:$0x3FC8]  }
0x91: {  	s18 =	sld [smem:$0x3FD0];
	(tm) =	ssettm $0x1  }
0x92: {  	s4 =	sld [smem:$0x3FFB];
	_ =	sdelay $0x3  }
0x93: {  	_ =	strace s4  }
0x94: {  	s4 =	sld [smem:$0x3FFC];
	_ =	sdelay $0x3  }
0x95: {  	_ =	strace s4  }
0x96: {  	s4 =	sld [smem:$0x3FFD];
	_ =	sdelay $0x3  }
0x97: {  	_ =	strace s4  }
0x98: {  	_ =	strace $0x8FFFFFFF  }
0x99: {  	s19 =	sld [smem:$0x3FDB];
	_ =	sdelay $0x1  }
0x9a: {  	s5 =	simm.s32 $_scs_section_size  }
0x9b: {  	s6 =	simm.s32 $_size__tile_overlayer_lowered;
	s7 =	simm.s32 $_tile_overlayer_lowered  }
0x9c: {  	s22 =	simm.s32 $0x1BFF;
	s21 =	sshll.u32 s7, $0x1;
	s4 =	sadd.s32 s5, s19  }
0x9d: {  	s8 =	simm.s32 $0x0;
	s20 =	sshll.u32 s6, $0x1;
	s6 =	sadd.s32 s21, s4  }
0x9e: {  	[timem:s8], [sflag:s22] =	dma.local [hbm:s6], s20  }
0x9f: {  	_ =	swait.ge [sflag:s22], s20  }
0xa0: {  	s5 =	ssub.s32 $0x0, s20;
	[sflag:s22] =	ssyncset.done $0x0  }
0xa1: {  	[sflag:s22] =	ssyncadd.s32 s5;
	_ =	sdelay $0x1  }
0xa2: {  	s23 =	simm.s32 $0x1B8B  }
0xa3: {  	_ =	swait.ge [sflag:s23], $0x1  }
0xa4: {  	[sflag:s23] =	ssyncset.done $0x0  }
0xa5: {  	s25 =	simm.s32 $0x1B8E;
	s24 =	sld [smem:$0x3FFE];
	[sflag:s23] =	ssyncadd.s32 $0xFFFFFFFF  }
0xa6: {  	s26 =	simm.s32 $execute0_lowered;
	[smem:$0x3FD2] =	sst s25  }
0xa7: {  	s6 =	sshll.u32 s26, $0x1;
	_ =	strace $0x80000046;
	[dreg:$0x1] =	wrdreg $0xFFFFFFFF  }
0xa8: {  	s28 =	simm.s32 $_size_execute0_lowered;
	s4 =	sadd.s32 s4, s6;
	[dreg:$0x0] =	wrdreg $0x0  }
0xa9: {  	s6 =	sshll.u32 s28, $0x1;
	[dreg:$0x2] =	wrdreg s4  }
0xaa: {  	[dreg:$0x3] =	wrdreg s6  }
0xab: {  	[dreg:$0x4] =	wrdreg $0xC0  }
0xac: {  	_ =	task [dreg:s8], $0x5FFFF  }
0xad: {  	[dreg:$0x1] =	wrdreg $0xFFFFFFFF  }
0xae: {  	[dreg:$0x0] =	wrdreg $0x60  }
0xaf: {  	[dreg:$0x2] =	wrdreg s2  }
0xb0: {  	[dreg:$0x3] =	wrdreg s24  }
0xb1: {  	[dreg:$0x4] =	wrdreg s18  }
0xb2: {  	[dreg:$0x5] =	wrdreg $0x183000  }
0xb3: {  	[dreg:$0x6] =	wrdreg $0x9  }
0xb4: {  	_ =	task.clear_ibuf [dreg:s8], $0x7FFFF;
	_ =	strace $0x90000046  }
0xb5: {  	s29 =	simm.s32 $0x9;
	_ =	strace $0x80000048  }
0xb6: {  	_ =	swait.ge [sflag:s29], $0x1  }
0xb7: {  	[sflag:s29] =	ssyncadd.s32 $0xFFFFFFFF  }
0xb8: {  	_ =	strace $0x90000048  }
0xb9: {  	_ =	sfence  }
0xba: {  	s30 =	sld [smem:$0x0];
	_ =	sdelay $0x2  }
0xbb: {  	s31 =	sshll.u32 s1, $0xD;
	s1 =	sshrl.u32 s1, $0x2  }
0xbc: {  	s3 =	sand.u32 $0x4000, s31;
	s1 =	sadd.s32 s1, s30  }
0xbd: {  	s0 =	sor.u32 s3, s0;
	s1 =	sshll.u32 s1, $0x11  }
0xbe: {  	s0 =	sor.u32 s1, s0  }
0xbf: {  	s0 =	sadd.s32 $0x8F2B, s0  }
0xc0: {  	[sflag:s0] =	ssyncadd.remote.s32 $0x1  }
0xc1: {  	_ =	sfence.sel $0xFFFF  }
0xc2: {  	[dreg:$0x0] =	wrdreg $0xFFFFFFFF;
	(pc) =	sbr.abs _section_cstart, $3  }
0xc3: {  	[dreg:$0x1] =	wrdreg $0xFFFFFFFF  }
0xc4: {  	_ =	task.clear_ibuf [dreg:s8], $0x2FFFF;
	_ =	strace $0x9FFFFFFF  }
0xc5: {  	(tm) =	ssettm $0x7FFFFFFF  }
tec
execute0_lowered:
.L_overlay_start_1:
0x0: {  	(tag) =	ssettag $0x1  }
0x1: {  	s0 =	rddreg [dreg:$0x1]  }
0x2: {  	s1 =	rddreg [dreg:$0x2];
	s5 =	stileid.u32  }
0x3: {  	s2 =	rddreg [dreg:$0x3];
	s14 =	smul.u32 $0x640, s5  }
0x4: {  	s4 =	srdreg.scid;
	s3 =	simm.s32 $0x0;
	s18 =	smul.u32 $0x32000, s5  }
0x5: {  	s28 =	simm.s32 $0x200;
	s6 =	sand.u32 $0x1, s4;
	s22 =	smul.u32 $0x6400, s5  }
0x6: {  	s29 =	simm.s32 $0x1;
	s30 =	simm.s32 $0x9;
	s16 =	smul.u32 $0x320, s6  }
0x7: {  	s31 =	simm.s32 $0x10300;
	s25 =	sshll.u32 s5, $0x1;
	s20 =	smul.u32 $0x19000, s6  }
0x8: {  	s7 =	sor.u32 s6, s25;
	s26 =	ssub.s32 $0x2, s6;
	s6 =	smul.u32 $0x3200, s6  }
0x9: {  	[smem:$0x7FF] =	sst s3;
	s4 =	sadd.s32 $0x400, s0;
	s8 =	smul.u32 $0x3200, s7  }
0xa: {  	p0 =	sne.s32 s5, $0x0;
	s9 =	smul.u32 $0x190000, s7;
	s10 =	sshrl.u32 s26, $0x1  }
0xb: {  	_ =	strace $0x80000047;
	s7 =	smul.u32 $0xC80000, s7;
	s0 =	ssub.s32 s26, s10  }
0xc: {  	s19 =	sadd.s32 s16, s14;
	s23 =	sadd.s32 s20, s18;
	s26 =	sadd.s32 s6, s22  }
0xd: {  	s18 =	simm.s32 $0x7;
	s20 =	simm.s32 $0x300;
	s22 =	simm.s32 $0x100  }
0xe: {  	s6 =	simm.s32 $0x2;
	s11 =	sadd.s32 s4, s8;
	[dreg:$0x6] =	wrdreg s26  }
0xf: {  	s13 =	sadd.s32 s1, s9;
	s7 =	sshrl.u32 s7, $0x3;
	[dreg:$0x7] =	wrdreg s11  }
0x10: {  	s0 =	smax.u32 s0, $0x1;
	s21 =	sshll.u32 s19, $0xB;
	[dreg:$0xa] =	wrdreg s13  }
0x11: {  	s19 =	simm.s32 $0x80;
	s8 =	sadd.s32 $0x20, s11;
	[dreg:$0xf] =	wrdreg s0  }
0x12: {  	s9 =	simm.s32 $0x3;
	s12 =	sadd.s32 $0x40, s11;
	[dreg:$0x8] =	wrdreg s8  }
0x13: {  	s26 =	simm.s32 $0x4300;
	s15 =	sadd.s32 $0x60, s11;
	[dreg:$0x9] =	wrdreg s12  }
0x14: {  	s7 =	sadd.s32 s1, s7;
	s10 =	sadd.s32 $0x1000, s13;
	[dreg:$0xb] =	wrdreg s15  }
0x15: {  	s0 =	sadd.s32 s21, s1;
	s1 =	sor.u32 $0x400, s23;
	[dreg:$0xc] =	wrdreg s10  }
0x16: {  	s23 =	simm.s32 $0x8;
	s17 =	sadd.s32 $0x18E000, s7;
	[dreg:$0x5] =	wrdreg s1  }
0x17: {  	s11 =	simm.s32 $0x6;
	s7 =	sadd.s32 $0x18F000, s7;
	[dreg:$0xd] =	wrdreg s17  }
0x18: {  	s24 =	sadd.s32 $0x2000, s0;
	s25 =	sadd.s32 $0x4000, s0;
	[dreg:$0xe] =	wrdreg s7  }
0x19: {  	s0 =	sadd.s32 $0x3000, s0;
	s1 =	simm.s32 $0xC300;
	[dreg:$0x10] =	wrdreg s24  }
0x1a: {  	s10 =	simm.s32 $0x5;
	s8 =	simm.s32 $0x0;
	[dreg:$0x11] =	wrdreg s25  }
0x1b: {  	[dreg:$0x12] =	wrdreg s0;
	s0 =	sshrl.u32 @!p0 s2, $0x3;
	s24 =	simm.s32 $0x8300  }
0x1c: {  	s7 =	simm.s32 $0x4;
	[dreg:$0x13] =	wrdreg s0;
	s0 =	simm.s32 $0x180  }
.LBB2_1:
0x1d: {  	[dreg:$0x14] =	wrdreg s8  }
0x1e: {  	s8 =	rddreg [dreg:$0x0]  }
0x1f: {  	s5 =	simm.s32 @!p0 $0x1C0A;
	s12 =	rddreg [dreg:$0x13]  }
0x20: {  	[spmem:s12], [sflag:s5] =	dma.local @!p0 [hbm:s8], $0x530  }
0x21: {  	s5 =	simm.s32 @!p0 $0xA  }
0x22: {  	_ =	swait.ge @!p0 [sflag:s5], $0x530  }
0x23: {  	[sflag:s5] =	ssyncset.done @!p0 $0x0  }
0x24: {  	[sflag:s5] =	ssyncadd.s32 @!p0 $0xFFFFFAD0  }
0x25: {  	[bflag:$0x0] =	sbarrier.arrive $0xFFFF  }
0x26: {  	s14 =	rddreg [dreg:$0x7]  }
0x27: {  	[tilespmem:s3], [sflag:$0x7] =	stream.linear.gather [hbm4b:s14+s3], $0x100, $0x38;
	[tilespmem:$0x18598] =	vst v63  }
0x28: {  	_ =	swait.ge [sflag:s18], $0x100  }
0x29: {  	[sflag:s18] =	ssyncset.done $0x0  }
0x2a: {  	[sflag:s18] =	ssyncadd.s32 $0xFFFFFF00  }
0x2b: {  	[tilespmem:s20], [sflag:$0x1] =	stream.indirect.gather [spmem:s2], $0x80, s3, s19, $0xb8;
	[tilespmem:$0x18598] =	vst v63  }
0x2c: {  	s12 =	simm.s32 $0x4300  }
0x2d: {  	[tilespmem:s12], [sflag:$0x1] =	stream.indirect.gather [spmem:s2], $0x80, s19, s19, $0xb8;
	[tilespmem:$0x18598] =	vst v63  }
0x2e: {  	s15 =	rddreg [dreg:$0x8]  }
0x2f: {  	[tilespmem:s22], [sflag:$0x8] =	stream.linear.gather [hbm4b:s15+s3], $0x100, $0x38;
	[tilespmem:$0x18598] =	vst v63  }
0x30: {  	_ =	swait.ge [sflag:s23], $0x100  }
0x31: {  	[sflag:s23] =	ssyncset.done $0x0  }
0x32: {  	[sflag:s23] =	ssyncadd.s32 $0xFFFFFF00  }
0x33: {  	[tilespmem:s24], [sflag:$0x2] =	stream.indirect.gather [spmem:s2], $0x80, s22, s19, $0xb8;
	[tilespmem:$0x18598] =	vst v63  }
0x34: {  	_ = 	snop  }
0x35: {  	[tilespmem:s1], [sflag:$0x2] =	stream.indirect.gather [spmem:s2], $0x80, s0, s19, $0xb8;
	[tilespmem:$0x18598] =	vst v63  }
0x36: {  	s16 =	rddreg [dreg:$0x9]  }
0x37: {  	[tilespmem:s28], [sflag:$0x9] =	stream.linear.gather [hbm4b:s16+s3], $0x100, $0x38;
	[tilespmem:$0x18598] =	vst v63  }
0x38: {  	_ =	swait.ge [sflag:s29], $0x4000  }
0x39: {  	[sflag:s29] =	ssyncset.done $0x0  }
0x3a: {  	[sflag:s29] =	ssyncadd.s32 $0xFFFFC000  }
0x3b: {  	_ =	swait.ge [sflag:s29], $0x4000  }
0x3c: {  	[sflag:s29] =	ssyncset.done $0x0  }
0x3d: {  	s17 =	rddreg [dreg:$0xa];
	[sflag:s29] =	ssyncadd.s32 $0xFFFFC000  }
0x3e: {  	[hbm4b:s17+s3] =	stream.linear.scatter [tilespmem:s20], [sflag:$0x4], $0x8000, $0x38;
	[tilespmem:$0x18598] =	vst v63  }
0x3f: {  	_ =	swait.ge [sflag:s30], $0x100  }
0x40: {  	[sflag:s30] =	ssyncset.done $0x0  }
0x41: {  	[sflag:s30] =	ssyncadd.s32 $0xFFFFFF00  }
0x42: {  	[tilespmem:s31], [sflag:$0x3] =	stream.indirect.gather [spmem:s2], $0x80, s28, s19, $0xb8;
	[tilespmem:$0x18598] =	vst v63  }
0x43: {  	s21 =	simm.s32 $0x280;
	s25 =	simm.s32 $0x14300  }
0x44: {  	[tilespmem:s25], [sflag:$0x3] =	stream.indirect.gather [spmem:s2], $0x80, s21, s19, $0xb8;
	[tilespmem:$0x18598] =	vst v63  }
0x45: {  	s8 =	rddreg [dreg:$0xb]  }
0x46: {  	[tilespmem:s3], [sflag:$0x7] =	stream.linear.gather [hbm4b:s8+s3], $0x100, $0x38;
	[tilespmem:$0x18598] =	vst v63  }
0x47: {  	_ =	swait.ge [sflag:s6], $0x4000  }
0x48: {  	[sflag:s6] =	ssyncset.done $0x0  }
0x49: {  	[sflag:s6] =	ssyncadd.s32 $0xFFFFC000  }
0x4a: {  	_ =	swait.ge [sflag:s6], $0x4000  }
0x4b: {  	[sflag:s6] =	ssyncset.done $0x0  }
0x4c: {  	s13 =	rddreg [dreg:$0xc];
	[sflag:s6] =	ssyncadd.s32 $0xFFFFC000  }
0x4d: {  	[hbm4b:s13+s3] =	stream.linear.scatter [tilespmem:s24], [sflag:$0x5], $0x8000, $0x38;
	[tilespmem:$0x18598] =	vst v63  }
0x4e: {  	_ =	swait.ge [sflag:s7], $0x8000  }
0x4f: {  	[sflag:s7] =	ssyncset.done $0x0  }
0x50: {  	[sflag:s7] =	ssyncadd.s32 $0xFFFF8000  }
0x51: {  	_ =	swait.ge [sflag:s18], $0x100  }
0x52: {  	[sflag:s18] =	ssyncset.done $0x0;
	s14 =	rddreg [dreg:$0x5]  }
0x53: {  	[sflag:s18] =	ssyncadd.s32 $0xFFFFFF00;
	s5 =	sadd.s32 $0x0, s14  }
0x54: {  	[tilespmem:s20], [sflag:$0x1] =	stream.indirect.gather [spmem:s2], $0x80, s3, s19, $0xb8;
	[tilespmem:$0x18598] =	vst v63  }
0x55: {  	s15 =	sand.u32 $0x300, s3;
	s5 =	sand.u32 $0x7FFFFC00, s5  }
0x56: {  	s5 =	sor.u32 s15, s5  }
0x57: {  	s5 =	sshrl.u32 s5, $0x3  }
0x58: {  	[tilespmem:s12], [sflag:$0x1] =	stream.indirect.gather [spmem:s2], $0x80, s19, s19, $0xb8;
	[tilespmem:$0x18598] =	vst v63  }
0x59: {  	s5 =	sadd.s32 s4, s5  }
0x5a: {  	[tilespmem:s22], [sflag:$0x8] =	stream.linear.gather [hbm4b:s5+s3], $0x100, $0x38;
	[tilespmem:$0x18598] =	vst v63  }
0x5b: {  	_ =	swait.ge [sflag:s9], $0x4000  }
0x5c: {  	[sflag:s9] =	ssyncset.done $0x0  }
0x5d: {  	[sflag:s9] =	ssyncadd.s32 $0xFFFFC000  }
0x5e: {  	_ =	swait.ge [sflag:s9], $0x4000  }
0x5f: {  	[sflag:s9] =	ssyncset.done $0x0  }
0x60: {  	s15 =	rddreg [dreg:$0x10];
	[sflag:s9] =	ssyncadd.s32 $0xFFFFC000  }
0x61: {  	[hbm4b:s15+s3] =	stream.linear.scatter [tilespmem:s31], [sflag:$0x6], $0x8000, $0x38;
	[tilespmem:$0x18598] =	vst v63  }
0x62: {  	_ =	swait.ge [sflag:s10], $0x8000  }
0x63: {  	[sflag:s10] =	ssyncset.done $0x0  }
0x64: {  	[sflag:s10] =	ssyncadd.s32 $0xFFFF8000  }
0x65: {  	_ =	swait.ge [sflag:s23], $0x100  }
0x66: {  	s16 =	rddreg [dreg:$0x6]  }
0x67: {  	s17 =	simm.s32 $0xA0;
	[sflag:s23] =	ssyncset.done $0x0;
	s5 =	sadd.s32 $0xC0, s16  }
0x68: {  	s8 =	sand.u32 $0x60, s17;
	[sflag:s23] =	ssyncadd.s32 $0xFFFFFF00;
	s21 =	sadd.s32 $0xFFFFFFE0, s5  }
0x69: {  	[tilespmem:s24], [sflag:$0x2] =	stream.indirect.gather [spmem:s2], $0x80, s22, s19, $0xb8;
	[tilespmem:$0x18598] =	vst v63  }
0x6a: {  	s8 =	sadd.s32 s4, s8;
	s12 =	sand.u32 $0xFFFFF80, s21  }
0x6b: {  	[tilespmem:s1], [sflag:$0x2] =	stream.indirect.gather [spmem:s2], $0x80, s0, s19, $0xb8;
	[tilespmem:$0x18598] =	vst v63  }
0x6c: {  	s8 =	sadd.s32 s12, s8  }
0x6d: {  	[tilespmem:s28], [sflag:$0x9] =	stream.linear.gather [hbm4b:s8+s3], $0x100, $0x38;
	[tilespmem:$0x18598] =	vst v63  }
0x6e: {  	_ =	swait.ge [sflag:s29], $0x4000  }
0x6f: {  	[sflag:s29] =	ssyncset.done $0x0  }
0x70: {  	[sflag:s29] =	ssyncadd.s32 $0xFFFFC000  }
0x71: {  	_ =	swait.ge [sflag:s29], $0x4000  }
0x72: {  	[sflag:s29] =	ssyncset.done $0x0  }
0x73: {  	s14 =	rddreg [dreg:$0x12];
	[sflag:s29] =	ssyncadd.s32 $0xFFFFC000  }
0x74: {  	[hbm4b:s14+s3] =	stream.linear.scatter [tilespmem:s20], [sflag:$0x4], $0x8000, $0x38;
	[tilespmem:$0x18598] =	vst v63  }
0x75: {  	s25 =	simm.s32 $0xC0;
	_ =	swait.ge [sflag:s11], $0x8000  }
0x76: {  	s13 =	simm.s32 $0x120;
	s16 =	sand.u32 $0x60, s25;
	[sflag:s11] =	ssyncset.done $0x0  }
0x77: {  	s0 =	simm.s32 $0x180;
	s1 =	simm.s32 $0xC300;
	[sflag:s11] =	ssyncadd.s32 $0xFFFF8000  }
0x78: {  	s12 =	sand.u32 $0xFFFFF80, s5;
	s8 =	smov.u32 s15;
	_ =	swait.ge [sflag:s30], $0x100  }
0x79: {  	s5 =	sadd.s32 $0x3000, s14;
	s14 =	simm.s32 $0x0;
	s21 =	rddreg [dreg:$0x11]  }
0x7a: {  	[sflag:s30] =	ssyncset.done $0x0;
	s17 =	sadd.s32 $0x3000, s21;
	s15 =	smov.u32 s21  }
.LBB2_2:
0x7b: {  	[sflag:s30] =	ssyncadd.s32 $0xFFFFFF00;
	s21 =	sadd.s32 s4, s16  }
0x7c: {  	[tilespmem:s31], [sflag:$0x3] =	stream.indirect.gather [spmem:s2], $0x80, s28, s19, $0xb8;
	[tilespmem:$0x18598] =	vst v63  }
0x7d: {  	s25 =	simm.s32 $0x14300;
	s12 =	sadd.s32 s12, s21;
	s21 =	simm.s32 $0x280  }
0x7e: {  	[tilespmem:s25], [sflag:$0x3] =	stream.indirect.gather [spmem:s2], $0x80, s21, s19, $0xb8;
	[tilespmem:$0x18598] =	vst v63  }
0x7f: {  	_ = 	snop  }
0x80: {  	[tilespmem:s3], [sflag:$0x7] =	stream.linear.gather [hbm4b:s12+s3], $0x100, $0x38;
	[tilespmem:$0x18598] =	vst v63  }
0x81: {  	_ =	swait.ge [sflag:s6], $0x4000  }
0x82: {  	[sflag:s6] =	ssyncset.done $0x0  }
0x83: {  	[sflag:s6] =	ssyncadd.s32 $0xFFFFC000  }
0x84: {  	_ =	swait.ge [sflag:s6], $0x4000  }
0x85: {  	[sflag:s6] =	ssyncset.done $0x0  }
0x86: {  	[sflag:s6] =	ssyncadd.s32 $0xFFFFC000  }
0x87: {  	[hbm4b:s15+s3] =	stream.linear.scatter [tilespmem:s24], [sflag:$0x5], $0x8000, $0x38;
	[tilespmem:$0x18598] =	vst v63  }
0x88: {  	_ =	swait.ge [sflag:s7], $0x8000  }
0x89: {  	[sflag:s7] =	ssyncset.done $0x0  }
0x8a: {  	[sflag:s7] =	ssyncadd.s32 $0xFFFF8000  }
0x8b: {  	_ =	swait.ge [sflag:s18], $0x100  }
0x8c: {  	s14 =	sadd.s32 $0x300, s14;
	[sflag:s18] =	ssyncset.done $0x0;
	s25 =	rddreg [dreg:$0x5]  }
0x8d: {  	[sflag:s18] =	ssyncadd.s32 $0xFFFFFF00;
	s21 =	sadd.s32 s14, s25  }
0x8e: {  	[tilespmem:s20], [sflag:$0x1] =	stream.indirect.gather [spmem:s2], $0x80, s3, s19, $0xb8;
	[tilespmem:$0x18598] =	vst v63  }
0x8f: {  	s12 =	sand.u32 $0x300, s14;
	s21 =	sand.u32 $0x7FFFFC00, s21  }
0x90: {  	s12 =	sor.u32 s12, s21  }
0x91: {  	s12 =	sshrl.u32 s12, $0x3  }
0x92: {  	[tilespmem:s26], [sflag:$0x1] =	stream.indirect.gather [spmem:s2], $0x80, s19, s19, $0xb8;
	[tilespmem:$0x18598] =	vst v63  }
0x93: {  	s12 =	sadd.s32 s4, s12  }
0x94: {  	[tilespmem:s22], [sflag:$0x8] =	stream.linear.gather [hbm4b:s12+s3], $0x100, $0x38;
	[tilespmem:$0x18598] =	vst v63  }
0x95: {  	_ =	swait.ge [sflag:s9], $0x4000  }
0x96: {  	[sflag:s9] =	ssyncset.done $0x0  }
0x97: {  	[sflag:s9] =	ssyncadd.s32 $0xFFFFC000  }
0x98: {  	_ =	swait.ge [sflag:s9], $0x4000  }
0x99: {  	[sflag:s9] =	ssyncset.done $0x0  }
0x9a: {  	s8 =	sadd.s32 $0x3000, s8;
	[sflag:s9] =	ssyncadd.s32 $0xFFFFC000  }
0x9b: {  	[hbm4b:s8+s3] =	stream.linear.scatter [tilespmem:s31], [sflag:$0x6], $0x8000, $0x38;
	[tilespmem:$0x18598] =	vst v63  }
0x9c: {  	_ =	swait.ge [sflag:s10], $0x8000  }
0x9d: {  	[sflag:s10] =	ssyncset.done $0x0  }
0x9e: {  	s16 =	smov.u32 s13;
	[sflag:s10] =	ssyncadd.s32 $0xFFFF8000  }
0x9f: {  	s25 =	sadd.s32 $0xFFFFFFE0, s16;
	_ =	swait.ge [sflag:s23], $0x100  }
0xa0: {  	s12 =	sand.u32 $0x60, s25;
	s21 =	rddreg [dreg:$0x6]  }
0xa1: {  	s25 =	sadd.s32 s4, s12;
	[sflag:s23] =	ssyncset.done $0x0;
	s12 =	sadd.s32 s16, s21  }
0xa2: {  	[sflag:s23] =	ssyncadd.s32 $0xFFFFFF00;
	s21 =	sadd.s32 $0xFFFFFFE0, s12  }
0xa3: {  	[tilespmem:s24], [sflag:$0x2] =	stream.indirect.gather [spmem:s2], $0x80, s22, s19, $0xb8;
	[tilespmem:$0x18598] =	vst v63  }
0xa4: {  	s21 =	sand.u32 $0xFFFFF80, s21  }
0xa5: {  	[tilespmem:s1], [sflag:$0x2] =	stream.indirect.gather [spmem:s2], $0x80, s0, s19, $0xb8;
	[tilespmem:$0x18598] =	vst v63  }
0xa6: {  	s21 =	sadd.s32 s21, s25  }
0xa7: {  	[tilespmem:s28], [sflag:$0x9] =	stream.linear.gather [hbm4b:s21+s3], $0x100, $0x38;
	[tilespmem:$0x18598] =	vst v63  }
0xa8: {  	_ =	swait.ge [sflag:s29], $0x4000  }
0xa9: {  	[sflag:s29] =	ssyncset.done $0x0  }
0xaa: {  	[sflag:s29] =	ssyncadd.s32 $0xFFFFC000  }
0xab: {  	_ =	swait.ge [sflag:s29], $0x4000  }
0xac: {  	[sflag:s29] =	ssyncset.done $0x0  }
0xad: {  	p1 =	sne.s32 s13, $0x31E0;
	[sflag:s29] =	ssyncadd.s32 $0xFFFFC000  }
0xae: {  	[hbm4b:s5+s3] =	stream.linear.scatter [tilespmem:s20], [sflag:$0x4], $0x8000, $0x38;
	[tilespmem:$0x18598] =	vst v63  }
.Ltmp0:
0xaf: {  	_ =	swait.ge [sflag:s11], $0x8000;
	(pc) =	sbr.rel @p1 .LBB2_2-.Ltmp0, $4  }
0xb0: {  	[sflag:s11] =	ssyncset.done $0x0  }
0xb1: {  	s13 =	sadd.s32 $0x60, s13;
	s15 =	smov.u32 s17;
	[sflag:s11] =	ssyncadd.s32 $0xFFFF8000  }
0xb2: {  	s17 =	sadd.s32 $0x3000, s17;
	s16 =	sand.u32 $0x60, s16;
	_ =	swait.ge [sflag:s30], $0x100  }
0xb3: {  	s12 =	sand.u32 $0xFFFFF80, s12;
	s5 =	sadd.s32 $0x3000, s5;
	[sflag:s30] =	ssyncset.done $0x0  }
0xb4: {  	[sflag:s30] =	ssyncadd.s32 $0xFFFFFF00  }
0xb5: {  	[tilespmem:s31], [sflag:$0x3] =	stream.indirect.gather [spmem:s2], $0x80, s28, s19, $0xb8;
	[tilespmem:$0x18598] =	vst v63  }
0xb6: {  	s5 =	sadd.s32 s4, s16;
	s0 =	simm.s32 $0x280;
	s1 =	simm.s32 $0x14300  }
0xb7: {  	[tilespmem:s1], [sflag:$0x3] =	stream.indirect.gather [spmem:s2], $0x80, s0, s19, $0xb8;
	[tilespmem:$0x18598] =	vst v63  }
0xb8: {  	s5 =	sadd.s32 s12, s5  }
0xb9: {  	[tilespmem:s3], [sflag:$0x7] =	stream.linear.gather [hbm4b:s5+s3], $0x100, $0x38;
	[tilespmem:$0x18598] =	vst v63  }
0xba: {  	_ =	swait.ge [sflag:s6], $0x4000  }
0xbb: {  	[sflag:s6] =	ssyncset.done $0x0  }
0xbc: {  	[sflag:s6] =	ssyncadd.s32 $0xFFFFC000  }
0xbd: {  	_ =	swait.ge [sflag:s6], $0x4000  }
0xbe: {  	[sflag:s6] =	ssyncset.done $0x0  }
0xbf: {  	[sflag:s6] =	ssyncadd.s32 $0xFFFFC000  }
0xc0: {  	[hbm4b:s15+s3] =	stream.linear.scatter [tilespmem:s24], [sflag:$0x5], $0x8000, $0x38;
	[tilespmem:$0x18598] =	vst v63  }
0xc1: {  	_ =	swait.ge [sflag:s7], $0x8000  }
0xc2: {  	[sflag:s7] =	ssyncset.done $0x0  }
0xc3: {  	[sflag:s7] =	ssyncadd.s32 $0xFFFF8000  }
0xc4: {  	_ =	swait.ge [sflag:s18], $0x100  }
0xc5: {  	[sflag:s18] =	ssyncset.done $0x0  }
0xc6: {  	[sflag:s18] =	ssyncadd.s32 $0xFFFFFF00  }
0xc7: {  	[tilespmem:s20], [sflag:$0x1] =	stream.indirect.gather [spmem:s2], $0x80, s3, s19, $0xb8;
	[tilespmem:$0x18598] =	vst v63  }
0xc8: {  	_ = 	snop  }
0xc9: {  	[tilespmem:s26], [sflag:$0x1] =	stream.indirect.gather [spmem:s2], $0x80, s19, s19, $0xb8;
	[tilespmem:$0x18598] =	vst v63  }
0xca: {  	_ =	swait.ge [sflag:s9], $0x4000  }
0xcb: {  	[sflag:s9] =	ssyncset.done $0x0  }
0xcc: {  	[sflag:s9] =	ssyncadd.s32 $0xFFFFC000  }
0xcd: {  	_ =	swait.ge [sflag:s9], $0x4000  }
0xce: {  	[sflag:s9] =	ssyncset.done $0x0  }
0xcf: {  	s17 =	rddreg [dreg:$0xd];
	[sflag:s9] =	ssyncadd.s32 $0xFFFFC000  }
0xd0: {  	[hbm4b:s17+s3] =	stream.linear.scatter [tilespmem:s31], [sflag:$0x6], $0x8000, $0x38;
	[tilespmem:$0x18598] =	vst v63  }
0xd1: {  	_ =	swait.ge [sflag:s10], $0x8000  }
0xd2: {  	[sflag:s10] =	ssyncset.done $0x0  }
0xd3: {  	[sflag:s10] =	ssyncadd.s32 $0xFFFF8000  }
0xd4: {  	_ =	swait.ge [sflag:s29], $0x4000  }
0xd5: {  	[sflag:s29] =	ssyncset.done $0x0  }
0xd6: {  	[sflag:s29] =	ssyncadd.s32 $0xFFFFC000  }
0xd7: {  	_ =	swait.ge [sflag:s29], $0x4000  }
0xd8: {  	[sflag:s29] =	ssyncset.done $0x0  }
0xd9: {  	s21 =	rddreg [dreg:$0xe];
	[sflag:s29] =	ssyncadd.s32 $0xFFFFC000  }
0xda: {  	[hbm4b:s21+s3] =	stream.linear.scatter [tilespmem:s20], [sflag:$0x4], $0x8000, $0x38;
	[tilespmem:$0x18598] =	vst v63  }
0xdb: {  	_ =	swait.ge [sflag:s11], $0x8000  }
0xdc: {  	[sflag:s11] =	ssyncset.done $0x0  }
0xdd: {  	[sflag:s11] =	ssyncadd.s32 $0xFFFF8000  }
0xde: {  	_ =	swait.ge [sflag:s7], $0x8000  }
0xdf: {  	s8 =	rddreg [dreg:$0x14]  }
0xe0: {  	s25 =	rddreg [dreg:$0xf];
	s8 =	sadd.s32 $0x1, s8  }
0xe1: {  	p1 =	sne.s32 s8, s25  }
.Ltmp1:
0xe2: {  	_ = 	snop;
	(pc) =	sbr.rel @p1 .LBB2_1-.Ltmp1, $3  }
0xe3: {  	_ =	sdelay $0x1  }
0xe4: {  	[sflag:s7] =	ssyncset.done $0x0  }
0xe5: {  	s0 =	simm.s32 $0x180;
	s1 =	simm.s32 $0xC300;
	[sflag:s7] =	ssyncadd.s32 $0xFFFF8000  }
0xe6: {  	_ =	sfence.sel $0x180000  }
0xe7: {  	[bflag:$0x0] =	sbarrier.arrive $0xFFFF  }
0xe8: {  	_ =	strace $0x90000047  }
0xe9: {  	[bflag:$0x2] =	sbarrier.arrive $0xFFFF  }
0xea: {  	s0 =	rddreg [dreg:$0x4]  }
0xeb: {  	s0 =	sadd.s32 @!p0 $0x100000, s0  }
0xec: {  	[sflag:s0] =	ssyncadd.tile.s32 @!p0 $0x1;
	_ =	shalt  }
.Lfunc_end2:
_tile_overlayer_lowered:
.L_overlay_start_2:
0xed: {  	(tag) =	ssettag $0x2  }
0xee: {  	s0 =	rddreg [dreg:$0x0];
	s2 =	stileid.u32  }
0xef: {  	s1 =	rddreg [dreg:$0x1];
	p0 =	sne.s32 s2, $0x0  }
0xf0: {  	s3 =	rddreg [dreg:$0x2];
	[bflag:$0x3] =	sbarrier.arrive $0xFFFF;
	s2 =	simm.s32 @!p0 $0x1C0A  }
0xf1: {  	[timem:s3], [sflag:s2] =	dma.local @!p0 [hbm:s0], s1  }
0xf2: {  	s0 =	simm.s32 @!p0 $0xA  }
0xf3: {  	_ =	swait.ge @!p0 [sflag:s0], s1  }
0xf4: {  	s1 =	ssub.s32 @!p0 $0x0, s1;
	[sflag:s0] =	ssyncset.done @!p0 $0x0  }
0xf5: {  	[sflag:s0] =	ssyncadd.s32 @!p0 s1  }
0xf6: {  	[bflag:$0x3] =	sbarrier.arrive $0xFFFF  }
0xf7: {  	_ =	shalt  }

</sc_bundles>
